<compile_context>
chip_gen: v7x
topology: tpu7x:2x2x1
jax: 0.10.2.dev20260603
libtpu: 0.0.44.dev20260713+nightly
codegen_flags: <defaults>
</compile_context>

<pallas_src>
import functools

import jax
import jax.numpy as jnp
from jax import lax
from jax.experimental import pallas as pl
from jax.experimental.pallas import tpu as pltpu
from jax.experimental.pallas import tpu_sc as plsc

N = 10000
D = 128
E = 320000
NC = 2
NS = 16
NW = NC * NS
PER_W = E // NW
CH = 64
NCH = PER_W // CH
REM = PER_W - NCH * CH
NBUF = 4
STG = 3
ZSTRIPE = 640
N_ACC = NS * ZSTRIPE
OUT_STRIPE = 624
OUT_TAIL = N - NS * OUT_STRIPE


def _sc_aggregate(x, adj):
    mesh = plsc.VectorSubcoreMesh(core_axis_name="c", subcore_axis_name="s")

    @functools.partial(
        pl.kernel,
        out_type=jax.ShapeDtypeStruct((NC, N, D), jnp.float32),
        mesh=mesh,
        scratch_types=(
            [pltpu.VMEM((PER_W,), jnp.int32)]
            + [pltpu.VMEM((CH,), jnp.int32)] * NBUF
            + [pltpu.VMEM((CH, D), jnp.float32)] * NBUF
            + [pltpu.VMEM((REM,), jnp.int32),
               pltpu.VMEM((REM, D), jnp.float32),
               pltpu.VMEM_SHARED((N_ACC, D), jnp.float32)]
            + [pltpu.SemaphoreType.DMA] * (3 * NBUF + 3)
        ),
    )
    def k(x_hbm, adj_hbm, out_hbm, *refs):
        sidx_all = refs[0]
        didx = refs[1:1 + NBUF]
        rows = refs[1 + NBUF:1 + 2 * NBUF]
        didx_r, rows_r, acc = refs[1 + 2 * NBUF:4 + 2 * NBUF]
        sems = refs[4 + 2 * NBUF:]
        sem_d = sems[0:NBUF]
        sem_g = sems[NBUF:2 * NBUF]
        sem_s = sems[2 * NBUF:3 * NBUF]
        sem_x, sem_dr, sem_gr = sems[3 * NBUF:]

        cid = lax.axis_index("c")
        sid = lax.axis_index("s")
        wid = sid * NC + cid
        base = wid * PER_W


        cp_s = pltpu.async_copy(adj_hbm.at[pl.ds(base, PER_W)], sidx_all, sem_x)
        cp_d = [pltpu.async_copy(adj_hbm.at[pl.ds(E + base + b * CH, CH)],
                                 didx[b], sem_d[b]) for b in range(STG)]
        cp_dr = pltpu.async_copy(adj_hbm.at[pl.ds(E + base + NCH * CH, REM)],
                                 didx_r, sem_dr)

        cp_s.wait()
        cp_g = [pltpu.async_copy(
            x_hbm.at[sidx_all.at[pl.ds(b * CH, CH)]], rows[b], sem_g[b])
            for b in range(STG)]
        cp_gr = pltpu.async_copy(
            x_hbm.at[sidx_all.at[pl.ds(NCH * CH, REM)]], rows_r, sem_gr)

        zero16 = jnp.zeros((16,), jnp.float32)
        ztile = rows[NBUF - 1]

        @pl.loop(0, CH)
        def _(r):
            @pl.loop(0, D, step=16)
            def _(c2):
                ztile[r, pl.ds(c2, 16)] = zero16

        @pl.loop(0, ZSTRIPE, step=CH)
        def _(i):
            pltpu.sync_copy(ztile, acc.at[pl.ds(sid * ZSTRIPE + i, CH)])

        all_cp_d = cp_d + [pltpu.make_async_copy(
            adj_hbm.at[pl.ds(E + base + b * CH, CH)], didx[b], sem_d[b])
            for b in range(STG, NBUF)]
        all_cp_g = cp_g + [pltpu.make_async_copy(
            x_hbm.at[sidx_all.at[pl.ds(b * CH, CH)]], rows[b], sem_g[b])
            for b in range(STG, NBUF)]
        cp_sc = [pltpu.make_async_copy(rows[b], acc.at[didx[b]], sem_s[b])
                 for b in range(NBUF)]

        plsc.subcore_barrier()

        @pl.loop(0, NCH, step=NBUF)
        def _(i):
            for b in range(NBUF):
                j = i + b
                pb = (b + STG) % NBUF

                @pl.when(j >= NBUF - STG)
                def _():
                    cp_sc[pb].wait()

                @pl.when(j + STG < NCH)
                def _():
                    pltpu.async_copy(
                        x_hbm.at[sidx_all.at[pl.ds((j + STG) * CH, CH)]],
                        rows[pb], sem_g[pb])
                    pltpu.async_copy(
                        adj_hbm.at[pl.ds(E + base + (j + STG) * CH, CH)],
                        didx[pb], sem_d[pb])

                all_cp_g[b].wait()
                all_cp_d[b].wait()
                pltpu.async_copy(rows[b], acc.at[didx[b]], sem_s[b], add=True)

        for t in range(NBUF - STG):
            cp_sc[(NCH - 1 - t) % NBUF].wait()
        cp_gr.wait()
        cp_dr.wait()
        pltpu.sync_copy(rows_r, acc.at[didx_r], add=True)

        plsc.subcore_barrier()

        HS = OUT_STRIPE // 2
        cpo = [pltpu.async_copy(
            acc.at[pl.ds(sid * OUT_STRIPE + h * HS, HS)],
            out_hbm.at[cid].at[pl.ds(sid * OUT_STRIPE + h * HS, HS)],
            sem_g[h]) for h in range(2)]

        @pl.when(sid == 0)
        def _():
            pltpu.async_copy(acc.at[pl.ds(NS * OUT_STRIPE, OUT_TAIL)],
                             out_hbm.at[cid].at[pl.ds(NS * OUT_STRIPE, OUT_TAIL)],
                             sem_g[2])

        cpo[0].wait()
        cpo[1].wait()

        @pl.when(sid == 0)
        def _():
            pltpu.make_async_copy(
                acc.at[pl.ds(NS * OUT_STRIPE, OUT_TAIL)],
                out_hbm.at[cid].at[pl.ds(NS * OUT_STRIPE, OUT_TAIL)],
                sem_g[2]).wait()

    return k(x, adj.reshape(-1))


BLK = 2000


def _tc_mlp(x, agg, W1, b1r, W2, b2r, eps_row):
    def body(x_ref, a_ref, w1_ref, b1_ref, w2_ref, b2_ref, e_ref, o_ref):
        h = (1.0 + e_ref[...]) * x_ref[...] + a_ref[0] + a_ref[1]
        h = jnp.dot(h, w1_ref[...], preferred_element_type=jnp.float32)
        h = jnp.maximum(h + b1_ref[...], 0.0)
        o = jnp.dot(h, w2_ref[...], preferred_element_type=jnp.float32)
        o_ref[...] = o + b2_ref[...]

    return pl.pallas_call(
        body,
        grid=(N // BLK,),
        in_specs=[
            pl.BlockSpec((BLK, D), lambda i: (i, 0)),
            pl.BlockSpec((NC, BLK, D), lambda i: (0, i, 0)),
            pl.BlockSpec((D, D), lambda i: (0, 0)),
            pl.BlockSpec((1, D), lambda i: (0, 0)),
            pl.BlockSpec((D, D), lambda i: (0, 0)),
            pl.BlockSpec((1, D), lambda i: (0, 0)),
            pl.BlockSpec((1, D), lambda i: (0, 0)),
        ],
        out_specs=pl.BlockSpec((BLK, D), lambda i: (i, 0)),
        out_shape=jax.ShapeDtypeStruct((N, D), jnp.float32),
    )(x, agg, W1, b1r, W2, b2r, eps_row)


def kernel(x, adj, W1, b1, W2, b2, eps):
    adj32 = adj.astype(jnp.int32)
    agg = _sc_aggregate(x, adj32)
    b1r = b1.reshape(1, D)
    b2r = b2.reshape(1, D)
    eps_row = jnp.broadcast_to(eps, (1, D)).astype(jnp.float32)
    return _tc_mlp(x, agg, W1, b1r, W2, b2r, eps_row)

# --- scband reference (transcript-rebuilt; emitter-appended) ---
"""Pipeline reference for scband-gnn-32676111188585 (READ-ONLY COPY).

The authoritative reference and input builder live on the scoring server;
editing this copy changes nothing except your own understanding.
"""

import jax, jax.numpy as jnp
import numpy as np

N_NODES = 10000
N_EDGES = 320000
D = 128

def setup_inputs(seed: int = 0) -> dict:
    key = jax.random.key(seed)
    k1, k2, k3, k4, k5, k6 = jax.random.split(key, 6)
    x = jax.random.normal(k1, (N_NODES, D), dtype=jnp.float32)
    adj = jax.random.randint(k2, (2, N_EDGES), 0, N_NODES, dtype=jnp.int64)
    # GINConv's internal MLP (2-layer, d->d->d) parameters
    W1 = jax.random.normal(k3, (D, D), dtype=jnp.float32) * (1.0 / np.sqrt(D))
    b1 = jnp.zeros((D,), dtype=jnp.float32)
    W2 = jax.random.normal(k4, (D, D), dtype=jnp.float32) * (1.0 / np.sqrt(D))
    b2 = jnp.zeros((D,), dtype=jnp.float32)
    eps = jnp.zeros((), dtype=jnp.float32)  # train_eps=True, init 0
    return {"x": x, "adj": adj, "W1": W1, "b1": b1, "W2": W2, "b2": b2, "eps": eps}

def reference(x, adj, W1, b1, W2, b2, eps):
    # GINConv: out = MLP((1 + eps) * x + sum_{j in N(i)} x_j)
    src = adj[0]
    dst = adj[1]
    msgs = jnp.take(x, src, axis=0)                      # gather source features [E, D]
    agg = jax.ops.segment_sum(msgs, dst, num_segments=N_NODES)  # scatter-add to dst [N, D]
    h = (1.0 + eps) * x + agg
    h = jnp.maximum(h @ W1 + b1, 0.0)
    out = h @ W2 + b2
    return out

if __name__ == "__main__":
    import jax
    _d = setup_inputs()
    print(jax.jit(kernel)(*tuple(_d.values())))

</pallas_src>

<mosaic_0001>
#map = affine_map<(d0, d1) -> (0, 0)>
#map1 = affine_map<(d0, d1) -> (0)>
#map2 = affine_map<(d0, d1) -> (0, 0, 0)>
module attributes {stable_mosaic.version = 14 : i64} {
  func.func @k(%arg0: i32, %arg1: i32, %arg2: memref<10000x128xf32, #tpu.memory_space<hbm>>, %arg3: memref<640000xi32, #tpu.memory_space<hbm>>, %arg4: memref<2x10000x128xf32, #tpu.memory_space<hbm>>, %arg5: memref<10000xi32, #tpu.memory_space<vmem>>, %arg6: memref<64xi32, #tpu.memory_space<vmem>>, %arg7: memref<64xi32, #tpu.memory_space<vmem>>, %arg8: memref<64xi32, #tpu.memory_space<vmem>>, %arg9: memref<64xi32, #tpu.memory_space<vmem>>, %arg10: memref<64x128xf32, #tpu.memory_space<vmem>>, %arg11: memref<64x128xf32, #tpu.memory_space<vmem>>, %arg12: memref<64x128xf32, #tpu.memory_space<vmem>>, %arg13: memref<64x128xf32, #tpu.memory_space<vmem>>, %arg14: memref<16xi32, #tpu.memory_space<vmem>>, %arg15: memref<16x128xf32, #tpu.memory_space<vmem>>, %arg16: memref<10240x128xf32, #tpu.memory_space<vmem_shared>>, %arg17: memref<!tpu.dma_semaphore, #tpu.memory_space<semaphore_mem>>, %arg18: memref<!tpu.dma_semaphore, #tpu.memory_space<semaphore_mem>>, %arg19: memref<!tpu.dma_semaphore, #tpu.memory_space<semaphore_mem>>, %arg20: memref<!tpu.dma_semaphore, #tpu.memory_space<semaphore_mem>>, %arg21: memref<!tpu.dma_semaphore, #tpu.memory_space<semaphore_mem>>, %arg22: memref<!tpu.dma_semaphore, #tpu.memory_space<semaphore_mem>>, %arg23: memref<!tpu.dma_semaphore, #tpu.memory_space<semaphore_mem>>, %arg24: memref<!tpu.dma_semaphore, #tpu.memory_space<semaphore_mem>>, %arg25: memref<!tpu.dma_semaphore, #tpu.memory_space<semaphore_mem>>, %arg26: memref<!tpu.dma_semaphore, #tpu.memory_space<semaphore_mem>>, %arg27: memref<!tpu.dma_semaphore, #tpu.memory_space<semaphore_mem>>, %arg28: memref<!tpu.dma_semaphore, #tpu.memory_space<semaphore_mem>>, %arg29: memref<!tpu.dma_semaphore, #tpu.memory_space<semaphore_mem>>, %arg30: memref<!tpu.dma_semaphore, #tpu.memory_space<semaphore_mem>>, %arg31: memref<!tpu.dma_semaphore, #tpu.memory_space<semaphore_mem>>) attributes {dimension_semantics = [#tpu.dimension_semantics<core_parallel>, #tpu.dimension_semantics<subcore_parallel>], iteration_bounds = array<i64: 2, 16>, scalar_prefetch = 0 : i64, scratch_operands = 27 : i64, tpu.core_type = #tpu.core_type<sc_vector_subcore>, window_params = [{transform_indices = #map}, {transform_indices = #map1}, {transform_indices = #map2}]} {
    %mul3A = arith.constant 2 : i32
    %mul3A_0 = arith.muli %arg1, %mul3A : i32
    %add3A = arith.addi %mul3A_0, %arg0 : i32
    %mul3A_1 = arith.constant 10000 : i32
    %mul3A_2 = arith.muli %add3A, %mul3A_1 : i32
    %dma_start3A = tpu.memref_slice %arg3[%mul3A_2] : memref<640000xi32, #tpu.memory_space<hbm>> -> memref<10000xi32, #tpu.memory_space<hbm>>
    %dma_start3A_3 = tpu.memref_slice %arg3[%mul3A_2] : memref<640000xi32, #tpu.memory_space<hbm>> -> memref<10000xi32, #tpu.memory_space<hbm>>
    tpu.enqueue_dma source(%dma_start3A_3 : memref<10000xi32, #tpu.memory_space<hbm>>) target(%arg5 : memref<10000xi32, #tpu.memory_space<vmem>>) target_semaphore(%arg29 : memref<!tpu.dma_semaphore, #tpu.memory_space<semaphore_mem>>)
    %add3A_4 = arith.constant 320000 : i32
    %add3A_5 = arith.addi %add3A_4, %mul3A_2 : i32
    %add3A_6 = arith.constant 0 : i32
    %add3A_7 = arith.addi %add3A_5, %add3A_6 : i32
    %dma_start3A_8 = tpu.memref_slice %arg3[%add3A_7] : memref<640000xi32, #tpu.memory_space<hbm>> -> memref<64xi32, #tpu.memory_space<hbm>>
    %dma_start3A_9 = tpu.memref_slice %arg3[%add3A_7] : memref<640000xi32, #tpu.memory_space<hbm>> -> memref<64xi32, #tpu.memory_space<hbm>>
    tpu.enqueue_dma source(%dma_start3A_9 : memref<64xi32, #tpu.memory_space<hbm>>) target(%arg6 : memref<64xi32, #tpu.memory_space<vmem>>) target_semaphore(%arg17 : memref<!tpu.dma_semaphore, #tpu.memory_space<semaphore_mem>>)
    %add3A_10 = arith.constant 320000 : i32
    %add3A_11 = arith.addi %add3A_10, %mul3A_2 : i32
    %add3A_12 = arith.constant 64 : i32
    %add3A_13 = arith.addi %add3A_11, %add3A_12 : i32
    %dma_start3A_14 = tpu.memref_slice %arg3[%add3A_13] : memref<640000xi32, #tpu.memory_space<hbm>> -> memref<64xi32, #tpu.memory_space<hbm>>
    %dma_start3A_15 = tpu.memref_slice %arg3[%add3A_13] : memref<640000xi32, #tpu.memory_space<hbm>> -> memref<64xi32, #tpu.memory_space<hbm>>
    tpu.enqueue_dma source(%dma_start3A_15 : memref<64xi32, #tpu.memory_space<hbm>>) target(%arg7 : memref<64xi32, #tpu.memory_space<vmem>>) target_semaphore(%arg18 : memref<!tpu.dma_semaphore, #tpu.memory_space<semaphore_mem>>)
    %add3A_16 = arith.constant 320000 : i32
    %add3A_17 = arith.addi %add3A_16, %mul3A_2 : i32
    %add3A_18 = arith.constant 128 : i32
    %add3A_19 = arith.addi %add3A_17, %add3A_18 : i32
    %dma_start3A_20 = tpu.memref_slice %arg3[%add3A_19] : memref<640000xi32, #tpu.memory_space<hbm>> -> memref<64xi32, #tpu.memory_space<hbm>>
    %dma_start3A_21 = tpu.memref_slice %arg3[%add3A_19] : memref<640000xi32, #tpu.memory_space<hbm>> -> memref<64xi32, #tpu.memory_space<hbm>>
    tpu.enqueue_dma source(%dma_start3A_21 : memref<64xi32, #tpu.memory_space<hbm>>) target(%arg8 : memref<64xi32, #tpu.memory_space<vmem>>) target_semaphore(%arg19 : memref<!tpu.dma_semaphore, #tpu.memory_space<semaphore_mem>>)
    %add3A_22 = arith.constant 320000 : i32
    %add3A_23 = arith.addi %add3A_22, %mul3A_2 : i32
    %add3A_24 = arith.constant 9984 : i32
    %add3A_25 = arith.addi %add3A_23, %add3A_24 : i32
    %dma_start3A_26 = tpu.memref_slice %arg3[%add3A_25] : memref<640000xi32, #tpu.memory_space<hbm>> -> memref<16xi32, #tpu.memory_space<hbm>>
    %dma_start3A_27 = tpu.memref_slice %arg3[%add3A_25] : memref<640000xi32, #tpu.memory_space<hbm>> -> memref<16xi32, #tpu.memory_space<hbm>>
    tpu.enqueue_dma source(%dma_start3A_27 : memref<16xi32, #tpu.memory_space<hbm>>) target(%arg14 : memref<16xi32, #tpu.memory_space<vmem>>) target_semaphore(%arg30 : memref<!tpu.dma_semaphore, #tpu.memory_space<semaphore_mem>>)
    %dma_wait3A = tpu.memref_slice %arg3[%mul3A_2] : memref<640000xi32, #tpu.memory_space<hbm>> -> memref<10000xi32, #tpu.memory_space<hbm>>
    %dma_wait3A_28 = tpu.memref_slice %arg3[%mul3A_2] : memref<640000xi32, #tpu.memory_space<hbm>> -> memref<10000xi32, #tpu.memory_space<hbm>>
    tpu.wait_dma2 semaphore(%arg29 : memref<!tpu.dma_semaphore, #tpu.memory_space<semaphore_mem>>) src(%dma_wait3A_28 : memref<10000xi32, #tpu.memory_space<hbm>>) dst(%arg5 : memref<10000xi32, #tpu.memory_space<vmem>>)
    %dma_start3A_29 = arith.constant 0 : i32
    %dma_start3A_30 = tpu.memref_slice %arg5[%dma_start3A_29] : memref<10000xi32, #tpu.memory_space<vmem>> -> memref<64xi32, #tpu.memory_space<vmem>>
    %dma_start3A_31 = arith.constant 0 : i32
    %dma_start3A_32 = arith.constant 0 : i32
    %dma_start3A_33 = tpu.memref_slice %arg2[%dma_start3A_31, %dma_start3A_32] : memref<10000x128xf32, #tpu.memory_space<hbm>> -> memref<10000x128xf32, #tpu.memory_space<hbm>>
    tpu.enqueue_indirect_dma source(%dma_start3A_33 : memref<10000x128xf32, #tpu.memory_space<hbm>>) target(%arg10 : memref<64x128xf32, #tpu.memory_space<vmem>>) offsets(%dma_start3A_30 : memref<64xi32, #tpu.memory_space<vmem>>) semaphore(%arg21 : memref<!tpu.dma_semaphore, #tpu.memory_space<semaphore_mem>>)
    %dma_start3A_34 = arith.constant 64 : i32
    %dma_start3A_35 = tpu.memref_slice %arg5[%dma_start3A_34] : memref<10000xi32, #tpu.memory_space<vmem>> -> memref<64xi32, #tpu.memory_space<vmem>>
    %dma_start3A_36 = arith.constant 0 : i32
    %dma_start3A_37 = arith.constant 0 : i32
    %dma_start3A_38 = tpu.memref_slice %arg2[%dma_start3A_36, %dma_start3A_37] : memref<10000x128xf32, #tpu.memory_space<hbm>> -> memref<10000x128xf32, #tpu.memory_space<hbm>>
    tpu.enqueue_indirect_dma source(%dma_start3A_38 : memref<10000x128xf32, #tpu.memory_space<hbm>>) target(%arg11 : memref<64x128xf32, #tpu.memory_space<vmem>>) offsets(%dma_start3A_35 : memref<64xi32, #tpu.memory_space<vmem>>) semaphore(%arg22 : memref<!tpu.dma_semaphore, #tpu.memory_space<semaphore_mem>>)
    %dma_start3A_39 = arith.constant 128 : i32
    %dma_start3A_40 = tpu.memref_slice %arg5[%dma_start3A_39] : memref<10000xi32, #tpu.memory_space<vmem>> -> memref<64xi32, #tpu.memory_space<vmem>>
    %dma_start3A_41 = arith.constant 0 : i32
    %dma_start3A_42 = arith.constant 0 : i32
    %dma_start3A_43 = tpu.memref_slice %arg2[%dma_start3A_41, %dma_start3A_42] : memref<10000x128xf32, #tpu.memory_space<hbm>> -> memref<10000x128xf32, #tpu.memory_space<hbm>>
    tpu.enqueue_indirect_dma source(%dma_start3A_43 : memref<10000x128xf32, #tpu.memory_space<hbm>>) target(%arg12 : memref<64x128xf32, #tpu.memory_space<vmem>>) offsets(%dma_start3A_40 : memref<64xi32, #tpu.memory_space<vmem>>) semaphore(%arg23 : memref<!tpu.dma_semaphore, #tpu.memory_space<semaphore_mem>>)
    %dma_start3A_44 = arith.constant 9984 : i32
    %dma_start3A_45 = tpu.memref_slice %arg5[%dma_start3A_44] : memref<10000xi32, #tpu.memory_space<vmem>> -> memref<16xi32, #tpu.memory_space<vmem>>
    %dma_start3A_46 = arith.constant 0 : i32
    %dma_start3A_47 = arith.constant 0 : i32
    %dma_start3A_48 = tpu.memref_slice %arg2[%dma_start3A_46, %dma_start3A_47] : memref<10000x128xf32, #tpu.memory_space<hbm>> -> memref<10000x128xf32, #tpu.memory_space<hbm>>
    tpu.enqueue_indirect_dma source(%dma_start3A_48 : memref<10000x128xf32, #tpu.memory_space<hbm>>) target(%arg15 : memref<16x128xf32, #tpu.memory_space<vmem>>) offsets(%dma_start3A_45 : memref<16xi32, #tpu.memory_space<vmem>>) semaphore(%arg31 : memref<!tpu.dma_semaphore, #tpu.memory_space<semaphore_mem>>)
    %broadcast_in_dim3A = arith.constant 0.000000e+00 : f32
    %broadcast_in_dim3A_49 = vector.broadcast %broadcast_in_dim3A : f32 to vector<16xf32>
    %scan3A = arith.constant 0 : i32
    %scan3A_50 = arith.constant 64 : i32
    %scan3A_51 = arith.addi %scan3A, %scan3A_50 : i32
    %scan3A_52 = arith.constant 1 : i32
    scf.for %scan3A_134 = %scan3A to %scan3A_51 step %scan3A_52  : i32 {
      %mul3A_135 = arith.constant 1 : i32
      %mul3A_136 = arith.muli %scan3A_134, %mul3A_135 : i32
      %add3A_137 = arith.constant 0 : i32
      %add3A_138 = arith.addi %add3A_137, %mul3A_136 : i32
      %scan3A_139 = arith.constant 0 : i32
      %scan3A_140 = arith.constant 8 : i32
      %scan3A_141 = arith.addi %scan3A_139, %scan3A_140 : i32
      %scan3A_142 = arith.constant 1 : i32
      scf.for %scan3A_144 = %scan3A_139 to %scan3A_141 step %scan3A_142  : i32 {
        %mul3A_145 = arith.constant 16 : i32
        %mul3A_146 = arith.muli %scan3A_144, %mul3A_145 : i32
        %add3A_147 = arith.constant 0 : i32
        %add3A_148 = arith.addi %add3A_147, %mul3A_146 : i32
        %swap3A = arith.index_cast %add3A_138 : i32 to index
        %swap3A_149 = arith.index_cast %add3A_148 : i32 to index
        %swap3A_150 = tpu.vector_load %arg13[%swap3A, %swap3A_149] {strides = array<i32>} : memref<64x128xf32, #tpu.memory_space<vmem>>, vector<1x16xf32>,
        %swap3A_151 = vector.shape_cast %swap3A_150 : vector<1x16xf32> to vector<16xf32>
        %swap3A_152 = vector.shape_cast %broadcast_in_dim3A_49 : vector<16xf32> to vector<1x16xf32>
        tpu.vector_store %arg13[%swap3A, %swap3A_149], %swap3A_152 {strides = array<i32>} : memref<64x128xf32, #tpu.memory_space<vmem>>, vector<1x16xf32>,
      }
      %scan3A_143 = arith.constant 8 : i32
    }
    %scan3A_53 = arith.constant 64 : i32
    %scan3A_54 = arith.constant 0 : i32
    %scan3A_55 = arith.constant 10 : i32
    %scan3A_56 = arith.addi %scan3A_54, %scan3A_55 : i32
    %scan3A_57 = arith.constant 1 : i32
    scf.for %scan3A_134 = %scan3A_54 to %scan3A_56 step %scan3A_57  : i32 {
      %mul3A_135 = arith.constant 64 : i32
      %mul3A_136 = arith.muli %scan3A_134, %mul3A_135 : i32
      %add3A_137 = arith.constant 0 : i32
      %add3A_138 = arith.addi %add3A_137, %mul3A_136 : i32
      %mul3A_139 = arith.constant 640 : i32
      %mul3A_140 = arith.muli %arg1, %mul3A_139 : i32
      %add3A_141 = arith.addi %mul3A_140, %add3A_138 : i32
      "tpu.region"() ({
        %run_scoped3A = tpu.sem_alloc : memref<!tpu.dma_semaphore, #tpu.memory_space<semaphore_mem>>
        %dma_start3A_142 = arith.constant 0 : i32
        %dma_start3A_143 = tpu.memref_slice %arg16[%add3A_141, %dma_start3A_142] : memref<10240x128xf32, #tpu.memory_space<vmem_shared>> -> memref<64x128xf32, #tpu.memory_space<vmem_shared>>
        %dma_start3A_144 = arith.constant 0 : i32
        %dma_start3A_145 = tpu.memref_slice %arg16[%add3A_141, %dma_start3A_144] : memref<10240x128xf32, #tpu.memory_space<vmem_shared>> -> memref<64x128xf32, #tpu.memory_space<vmem_shared>>
        tpu.enqueue_dma source(%arg13 : memref<64x128xf32, #tpu.memory_space<vmem>>) target(%dma_start3A_145 : memref<64x128xf32, #tpu.memory_space<vmem_shared>>) target_semaphore(%run_scoped3A : memref<!tpu.dma_semaphore, #tpu.memory_space<semaphore_mem>>)
        %dma_wait3A_146 = arith.constant 0 : i32
        %dma_wait3A_147 = tpu.memref_slice %arg16[%add3A_141, %dma_wait3A_146] : memref<10240x128xf32, #tpu.memory_space<vmem_shared>> -> memref<64x128xf32, #tpu.memory_space<vmem_shared>>
        %dma_wait3A_148 = arith.constant 0 : i32
        %dma_wait3A_149 = tpu.memref_slice %arg16[%add3A_141, %dma_wait3A_148] : memref<10240x128xf32, #tpu.memory_space<vmem_shared>> -> memref<64x128xf32, #tpu.memory_space<vmem_shared>>
        tpu.wait_dma2 semaphore(%run_scoped3A : memref<!tpu.dma_semaphore, #tpu.memory_space<semaphore_mem>>) src(%arg13 : memref<64x128xf32, #tpu.memory_space<vmem>>) dst(%dma_wait3A_149 : memref<64x128xf32, #tpu.memory_space<vmem_shared>>)
        tpu.yield
      }) : () -> ()
    }
    %scan3A_58 = arith.constant 10 : i32
    %add3A_59 = arith.constant 320000 : i32
    %add3A_60 = arith.addi %add3A_59, %mul3A_2 : i32
    %add3A_61 = arith.constant 192 : i32
    %add3A_62 = arith.addi %add3A_60, %add3A_61 : i32
    %barrier3A = arith.constant 0 : index
    tpu.barrier barrier_id(%barrier3A)
    %scan3A_63 = arith.constant 0 : i32
    %scan3A_64 = arith.constant 39 : i32
    %scan3A_65 = arith.addi %scan3A_63, %scan3A_64 : i32
    %scan3A_66 = arith.constant 1 : i32
    scf.for %scan3A_134 = %scan3A_63 to %scan3A_65 step %scan3A_66  : i32 {
      %mul3A_135 = arith.constant 4 : i32
      %mul3A_136 = arith.muli %scan3A_134, %mul3A_135 : i32
      %add3A_137 = arith.constant 0 : i32
      %add3A_138 = arith.addi %add3A_137, %mul3A_136 : i32
      %add3A_139 = arith.constant 0 : i32
      %add3A_140 = arith.addi %add3A_138, %add3A_139 : i32
      %ge3A = arith.constant 1 : i32
      %ge3A_141 = arith.cmpi sge, %add3A_140, %ge3A : i32
      %convert_element_type3A_142 = arith.extui %ge3A_141 : i1 to i32
      %cond3A_143 = arith.constant 0 : i32
      %cond3A_144 = arith.cmpi ne, %convert_element_type3A_142, %cond3A_143 : i32
      scf.if %cond3A_144 {
        %dma_wait3A_233 = arith.constant 0 : i32
        %dma_wait3A_234 = arith.constant 0 : i32
        %dma_wait3A_235 = tpu.memref_slice %arg16[%dma_wait3A_233, %dma_wait3A_234] : memref<10240x128xf32, #tpu.memory_space<vmem_shared>> -> memref<10240x128xf32, #tpu.memory_space<vmem_shared>>
        tpu.wait_indirect_dma semaphore(%arg28 : memref<!tpu.dma_semaphore, #tpu.memory_space<semaphore_mem>>) src(%arg13 : memref<64x128xf32, #tpu.memory_space<vmem>>) dst(%dma_wait3A_235 : memref<10240x128xf32, #tpu.memory_space<vmem_shared>>)
      } else {
      }
      %add3A_145 = arith.constant 3 : i32
      %add3A_146 = arith.addi %add3A_140, %add3A_145 : i32
      %lt3A = arith.constant 156 : i32
      %lt3A_147 = arith.cmpi slt, %add3A_146, %lt3A : i32
      %convert_element_type3A_148 = arith.extui %lt3A_147 : i1 to i32
      %cond3A_149 = arith.constant 0 : i32
      %cond3A_150 = arith.cmpi ne, %convert_element_type3A_148, %cond3A_149 : i32
      scf.if %cond3A_150 {
        %add3A_233 = arith.constant 3 : i32
        %add3A_234 = arith.addi %add3A_140, %add3A_233 : i32
        %mul3A_235 = arith.constant 64 : i32
        %mul3A_236 = arith.muli %add3A_234, %mul3A_235 : i32
        %dma_start3A_237 = tpu.memref_slice %arg5[%mul3A_236] : memref<10000xi32, #tpu.memory_space<vmem>> -> memref<64xi32, #tpu.memory_space<vmem>>
        %dma_start3A_238 = arith.constant 0 : i32
        %dma_start3A_239 = arith.constant 0 : i32
        %dma_start3A_240 = tpu.memref_slice %arg2[%dma_start3A_238, %dma_start3A_239] : memref<10000x128xf32, #tpu.memory_space<hbm>> -> memref<10000x128xf32, #tpu.memory_space<hbm>>
        tpu.enqueue_indirect_dma source(%dma_start3A_240 : memref<10000x128xf32, #tpu.memory_space<hbm>>) target(%arg13 : memref<64x128xf32, #tpu.memory_space<vmem>>) offsets(%dma_start3A_237 : memref<64xi32, #tpu.memory_space<vmem>>) semaphore(%arg24 : memref<!tpu.dma_semaphore, #tpu.memory_space<semaphore_mem>>)
        %add3A_241 = arith.constant 320000 : i32
        %add3A_242 = arith.addi %add3A_241, %mul3A_2 : i32
        %add3A_243 = arith.constant 3 : i32
        %add3A_244 = arith.addi %add3A_140, %add3A_243 : i32
        %mul3A_245 = arith.constant 64 : i32
        %mul3A_246 = arith.muli %add3A_244, %mul3A_245 : i32
        %add3A_247 = arith.addi %add3A_242, %mul3A_246 : i32
        %dma_start3A_248 = tpu.memref_slice %arg3[%add3A_247] : memref<640000xi32, #tpu.memory_space<hbm>> -> memref<64xi32, #tpu.memory_space<hbm>>
        %dma_start3A_249 = tpu.memref_slice %arg3[%add3A_247] : memref<640000xi32, #tpu.memory_space<hbm>> -> memref<64xi32, #tpu.memory_space<hbm>>
        tpu.enqueue_dma source(%dma_start3A_249 : memref<64xi32, #tpu.memory_space<hbm>>) target(%arg9 : memref<64xi32, #tpu.memory_space<vmem>>) target_semaphore(%arg20 : memref<!tpu.dma_semaphore, #tpu.memory_space<semaphore_mem>>)
      } else {
      }
      %dma_wait3A_151 = arith.constant 0 : i32
      %dma_wait3A_152 = tpu.memref_slice %arg5[%dma_wait3A_151] : memref<10000xi32, #tpu.memory_space<vmem>> -> memref<64xi32, #tpu.memory_space<vmem>>
      %dma_wait3A_153 = arith.constant 0 : i32
      %dma_wait3A_154 = arith.constant 0 : i32
      %dma_wait3A_155 = tpu.memref_slice %arg2[%dma_wait3A_153, %dma_wait3A_154] : memref<10000x128xf32, #tpu.memory_space<hbm>> -> memref<10000x128xf32, #tpu.memory_space<hbm>>
      tpu.wait_indirect_dma semaphore(%arg21 : memref<!tpu.dma_semaphore, #tpu.memory_space<semaphore_mem>>) src(%dma_wait3A_155 : memref<10000x128xf32, #tpu.memory_space<hbm>>) dst(%arg10 : memref<64x128xf32, #tpu.memory_space<vmem>>)
      %dma_wait3A_156 = tpu.memref_slice %arg3[%add3A_7] : memref<640000xi32, #tpu.memory_space<hbm>> -> memref<64xi32, #tpu.memory_space<hbm>>
      %dma_wait3A_157 = tpu.memref_slice %arg3[%add3A_7] : memref<640000xi32, #tpu.memory_space<hbm>> -> memref<64xi32, #tpu.memory_space<hbm>>
      tpu.wait_dma2 semaphore(%arg17 : memref<!tpu.dma_semaphore, #tpu.memory_space<semaphore_mem>>) src(%dma_wait3A_157 : memref<64xi32, #tpu.memory_space<hbm>>) dst(%arg6 : memref<64xi32, #tpu.memory_space<vmem>>)
      %dma_start3A_158 = arith.constant 0 : i32
      %dma_start3A_159 = arith.constant 0 : i32
      %dma_start3A_160 = tpu.memref_slice %arg16[%dma_start3A_158, %dma_start3A_159] : memref<10240x128xf32, #tpu.memory_space<vmem_shared>> -> memref<10240x128xf32, #tpu.memory_space<vmem_shared>>
      tpu.enqueue_indirect_dma source(%arg10 : memref<64x128xf32, #tpu.memory_space<vmem>>) target(%dma_start3A_160 : memref<10240x128xf32, #tpu.memory_space<vmem_shared>>) offsets(%arg6 : memref<64xi32, #tpu.memory_space<vmem>>) semaphore(%arg25 : memref<!tpu.dma_semaphore, #tpu.memory_space<semaphore_mem>>) {add = true}
      %add3A_161 = arith.constant 1 : i32
      %add3A_162 = arith.addi %add3A_138, %add3A_161 : i32
      %ge3A_163 = arith.constant 1 : i32
      %ge3A_164 = arith.cmpi sge, %add3A_162, %ge3A_163 : i32
      %convert_element_type3A_165 = arith.extui %ge3A_164 : i1 to i32
      %cond3A_166 = arith.constant 0 : i32
      %cond3A_167 = arith.cmpi ne, %convert_element_type3A_165, %cond3A_166 : i32
      scf.if %cond3A_167 {
        %dma_wait3A_233 = arith.constant 0 : i32
        %dma_wait3A_234 = arith.constant 0 : i32
        %dma_wait3A_235 = tpu.memref_slice %arg16[%dma_wait3A_233, %dma_wait3A_234] : memref<10240x128xf32, #tpu.memory_space<vmem_shared>> -> memref<10240x128xf32, #tpu.memory_space<vmem_shared>>
        tpu.wait_indirect_dma semaphore(%arg25 : memref<!tpu.dma_semaphore, #tpu.memory_space<semaphore_mem>>) src(%arg10 : memref<64x128xf32, #tpu.memory_space<vmem>>) dst(%dma_wait3A_235 : memref<10240x128xf32, #tpu.memory_space<vmem_shared>>)
      } else {
      }
      %add3A_168 = arith.constant 3 : i32
      %add3A_169 = arith.addi %add3A_162, %add3A_168 : i32
      %lt3A_170 = arith.constant 156 : i32
      %lt3A_171 = arith.cmpi slt, %add3A_169, %lt3A_170 : i32
      %convert_element_type3A_172 = arith.extui %lt3A_171 : i1 to i32
      %cond3A_173 = arith.constant 0 : i32
      %cond3A_174 = arith.cmpi ne, %convert_element_type3A_172, %cond3A_173 : i32
      scf.if %cond3A_174 {
        %add3A_233 = arith.constant 3 : i32
        %add3A_234 = arith.addi %add3A_162, %add3A_233 : i32
        %mul3A_235 = arith.constant 64 : i32
        %mul3A_236 = arith.muli %add3A_234, %mul3A_235 : i32
        %dma_start3A_237 = tpu.memref_slice %arg5[%mul3A_236] : memref<10000xi32, #tpu.memory_space<vmem>> -> memref<64xi32, #tpu.memory_space<vmem>>
        %dma_start3A_238 = arith.constant 0 : i32
        %dma_start3A_239 = arith.constant 0 : i32
        %dma_start3A_240 = tpu.memref_slice %arg2[%dma_start3A_238, %dma_start3A_239] : memref<10000x128xf32, #tpu.memory_space<hbm>> -> memref<10000x128xf32, #tpu.memory_space<hbm>>
        tpu.enqueue_indirect_dma source(%dma_start3A_240 : memref<10000x128xf32, #tpu.memory_space<hbm>>) target(%arg10 : memref<64x128xf32, #tpu.memory_space<vmem>>) offsets(%dma_start3A_237 : memref<64xi32, #tpu.memory_space<vmem>>) semaphore(%arg21 : memref<!tpu.dma_semaphore, #tpu.memory_space<semaphore_mem>>)
        %add3A_241 = arith.constant 320000 : i32
        %add3A_242 = arith.addi %add3A_241, %mul3A_2 : i32
        %add3A_243 = arith.constant 3 : i32
        %add3A_244 = arith.addi %add3A_162, %add3A_243 : i32
        %mul3A_245 = arith.constant 64 : i32
        %mul3A_246 = arith.muli %add3A_244, %mul3A_245 : i32
        %add3A_247 = arith.addi %add3A_242, %mul3A_246 : i32
        %dma_start3A_248 = tpu.memref_slice %arg3[%add3A_247] : memref<640000xi32, #tpu.memory_space<hbm>> -> memref<64xi32, #tpu.memory_space<hbm>>
        %dma_start3A_249 = tpu.memref_slice %arg3[%add3A_247] : memref<640000xi32, #tpu.memory_space<hbm>> -> memref<64xi32, #tpu.memory_space<hbm>>
        tpu.enqueue_dma source(%dma_start3A_249 : memref<64xi32, #tpu.memory_space<hbm>>) target(%arg6 : memref<64xi32, #tpu.memory_space<vmem>>) target_semaphore(%arg17 : memref<!tpu.dma_semaphore, #tpu.memory_space<semaphore_mem>>)
      } else {
      }
      %dma_wait3A_175 = arith.constant 64 : i32
      %dma_wait3A_176 = tpu.memref_slice %arg5[%dma_wait3A_175] : memref<10000xi32, #tpu.memory_space<vmem>> -> memref<64xi32, #tpu.memory_space<vmem>>
      %dma_wait3A_177 = arith.constant 0 : i32
      %dma_wait3A_178 = arith.constant 0 : i32
      %dma_wait3A_179 = tpu.memref_slice %arg2[%dma_wait3A_177, %dma_wait3A_178] : memref<10000x128xf32, #tpu.memory_space<hbm>> -> memref<10000x128xf32, #tpu.memory_space<hbm>>
      tpu.wait_indirect_dma semaphore(%arg22 : memref<!tpu.dma_semaphore, #tpu.memory_space<semaphore_mem>>) src(%dma_wait3A_179 : memref<10000x128xf32, #tpu.memory_space<hbm>>) dst(%arg11 : memref<64x128xf32, #tpu.memory_space<vmem>>)
      %dma_wait3A_180 = tpu.memref_slice %arg3[%add3A_13] : memref<640000xi32, #tpu.memory_space<hbm>> -> memref<64xi32, #tpu.memory_space<hbm>>
      %dma_wait3A_181 = tpu.memref_slice %arg3[%add3A_13] : memref<640000xi32, #tpu.memory_space<hbm>> -> memref<64xi32, #tpu.memory_space<hbm>>
      tpu.wait_dma2 semaphore(%arg18 : memref<!tpu.dma_semaphore, #tpu.memory_space<semaphore_mem>>) src(%dma_wait3A_181 : memref<64xi32, #tpu.memory_space<hbm>>) dst(%arg7 : memref<64xi32, #tpu.memory_space<vmem>>)
      %dma_start3A_182 = arith.constant 0 : i32
      %dma_start3A_183 = arith.constant 0 : i32
      %dma_start3A_184 = tpu.memref_slice %arg16[%dma_start3A_182, %dma_start3A_183] : memref<10240x128xf32, #tpu.memory_space<vmem_shared>> -> memref<10240x128xf32, #tpu.memory_space<vmem_shared>>
      tpu.enqueue_indirect_dma source(%arg11 : memref<64x128xf32, #tpu.memory_space<vmem>>) target(%dma_start3A_184 : memref<10240x128xf32, #tpu.memory_space<vmem_shared>>) offsets(%arg7 : memref<64xi32, #tpu.memory_space<vmem>>) semaphore(%arg26 : memref<!tpu.dma_semaphore, #tpu.memory_space<semaphore_mem>>) {add = true}
      %add3A_185 = arith.constant 2 : i32
      %add3A_186 = arith.addi %add3A_138, %add3A_185 : i32
      %ge3A_187 = arith.constant 1 : i32
      %ge3A_188 = arith.cmpi sge, %add3A_186, %ge3A_187 : i32
      %convert_element_type3A_189 = arith.extui %ge3A_188 : i1 to i32
      %cond3A_190 = arith.constant 0 : i32
      %cond3A_191 = arith.cmpi ne, %convert_element_type3A_189, %cond3A_190 : i32
      scf.if %cond3A_191 {
        %dma_wait3A_233 = arith.constant 0 : i32
        %dma_wait3A_234 = arith.constant 0 : i32
        %dma_wait3A_235 = tpu.memref_slice %arg16[%dma_wait3A_233, %dma_wait3A_234] : memref<10240x128xf32, #tpu.memory_space<vmem_shared>> -> memref<10240x128xf32, #tpu.memory_space<vmem_shared>>
        tpu.wait_indirect_dma semaphore(%arg26 : memref<!tpu.dma_semaphore, #tpu.memory_space<semaphore_mem>>) src(%arg11 : memref<64x128xf32, #tpu.memory_space<vmem>>) dst(%dma_wait3A_235 : memref<10240x128xf32, #tpu.memory_space<vmem_shared>>)
      } else {
      }
      %add3A_192 = arith.constant 3 : i32
      %add3A_193 = arith.addi %add3A_186, %add3A_192 : i32
      %lt3A_194 = arith.constant 156 : i32
      %lt3A_195 = arith.cmpi slt, %add3A_193, %lt3A_194 : i32
      %convert_element_type3A_196 = arith.extui %lt3A_195 : i1 to i32
      %cond3A_197 = arith.constant 0 : i32
      %cond3A_198 = arith.cmpi ne, %convert_element_type3A_196, %cond3A_197 : i32
      scf.if %cond3A_198 {
        %add3A_233 = arith.constant 3 : i32
        %add3A_234 = arith.addi %add3A_186, %add3A_233 : i32
        %mul3A_235 = arith.constant 64 : i32
        %mul3A_236 = arith.muli %add3A_234, %mul3A_235 : i32
        %dma_start3A_237 = tpu.memref_slice %arg5[%mul3A_236] : memref<10000xi32, #tpu.memory_space<vmem>> -> memref<64xi32, #tpu.memory_space<vmem>>
        %dma_start3A_238 = arith.constant 0 : i32
        %dma_start3A_239 = arith.constant 0 : i32
        %dma_start3A_240 = tpu.memref_slice %arg2[%dma_start3A_238, %dma_start3A_239] : memref<10000x128xf32, #tpu.memory_space<hbm>> -> memref<10000x128xf32, #tpu.memory_space<hbm>>
        tpu.enqueue_indirect_dma source(%dma_start3A_240 : memref<10000x128xf32, #tpu.memory_space<hbm>>) target(%arg11 : memref<64x128xf32, #tpu.memory_space<vmem>>) offsets(%dma_start3A_237 : memref<64xi32, #tpu.memory_space<vmem>>) semaphore(%arg22 : memref<!tpu.dma_semaphore, #tpu.memory_space<semaphore_mem>>)
        %add3A_241 = arith.constant 320000 : i32
        %add3A_242 = arith.addi %add3A_241, %mul3A_2 : i32
        %add3A_243 = arith.constant 3 : i32
        %add3A_244 = arith.addi %add3A_186, %add3A_243 : i32
        %mul3A_245 = arith.constant 64 : i32
        %mul3A_246 = arith.muli %add3A_244, %mul3A_245 : i32
        %add3A_247 = arith.addi %add3A_242, %mul3A_246 : i32
        %dma_start3A_248 = tpu.memref_slice %arg3[%add3A_247] : memref<640000xi32, #tpu.memory_space<hbm>> -> memref<64xi32, #tpu.memory_space<hbm>>
        %dma_start3A_249 = tpu.memref_slice %arg3[%add3A_247] : memref<640000xi32, #tpu.memory_space<hbm>> -> memref<64xi32, #tpu.memory_space<hbm>>
        tpu.enqueue_dma source(%dma_start3A_249 : memref<64xi32, #tpu.memory_space<hbm>>) target(%arg7 : memref<64xi32, #tpu.memory_space<vmem>>) target_semaphore(%arg18 : memref<!tpu.dma_semaphore, #tpu.memory_space<semaphore_mem>>)
      } else {
      }
      %dma_wait3A_199 = arith.constant 128 : i32
      %dma_wait3A_200 = tpu.memref_slice %arg5[%dma_wait3A_199] : memref<10000xi32, #tpu.memory_space<vmem>> -> memref<64xi32, #tpu.memory_space<vmem>>
      %dma_wait3A_201 = arith.constant 0 : i32
      %dma_wait3A_202 = arith.constant 0 : i32
      %dma_wait3A_203 = tpu.memref_slice %arg2[%dma_wait3A_201, %dma_wait3A_202] : memref<10000x128xf32, #tpu.memory_space<hbm>> -> memref<10000x128xf32, #tpu.memory_space<hbm>>
      tpu.wait_indirect_dma semaphore(%arg23 : memref<!tpu.dma_semaphore, #tpu.memory_space<semaphore_mem>>) src(%dma_wait3A_203 : memref<10000x128xf32, #tpu.memory_space<hbm>>) dst(%arg12 : memref<64x128xf32, #tpu.memory_space<vmem>>)
      %dma_wait3A_204 = tpu.memref_slice %arg3[%add3A_19] : memref<640000xi32, #tpu.memory_space<hbm>> -> memref<64xi32, #tpu.memory_space<hbm>>
      %dma_wait3A_205 = tpu.memref_slice %arg3[%add3A_19] : memref<640000xi32, #tpu.memory_space<hbm>> -> memref<64xi32, #tpu.memory_space<hbm>>
      tpu.wait_dma2 semaphore(%arg19 : memref<!tpu.dma_semaphore, #tpu.memory_space<semaphore_mem>>) src(%dma_wait3A_205 : memref<64xi32, #tpu.memory_space<hbm>>) dst(%arg8 : memref<64xi32, #tpu.memory_space<vmem>>)
      %dma_start3A_206 = arith.constant 0 : i32
      %dma_start3A_207 = arith.constant 0 : i32
      %dma_start3A_208 = tpu.memref_slice %arg16[%dma_start3A_206, %dma_start3A_207] : memref<10240x128xf32, #tpu.memory_space<vmem_shared>> -> memref<10240x128xf32, #tpu.memory_space<vmem_shared>>
      tpu.enqueue_indirect_dma source(%arg12 : memref<64x128xf32, #tpu.memory_space<vmem>>) target(%dma_start3A_208 : memref<10240x128xf32, #tpu.memory_space<vmem_shared>>) offsets(%arg8 : memref<64xi32, #tpu.memory_space<vmem>>) semaphore(%arg27 : memref<!tpu.dma_semaphore, #tpu.memory_space<semaphore_mem>>) {add = true}
      %add3A_209 = arith.constant 3 : i32
      %add3A_210 = arith.addi %add3A_138, %add3A_209 : i32
      %ge3A_211 = arith.constant 1 : i32
      %ge3A_212 = arith.cmpi sge, %add3A_210, %ge3A_211 : i32
      %convert_element_type3A_213 = arith.extui %ge3A_212 : i1 to i32
      %cond3A_214 = arith.constant 0 : i32
      %cond3A_215 = arith.cmpi ne, %convert_element_type3A_213, %cond3A_214 : i32
      scf.if %cond3A_215 {
        %dma_wait3A_233 = arith.constant 0 : i32
        %dma_wait3A_234 = arith.constant 0 : i32
        %dma_wait3A_235 = tpu.memref_slice %arg16[%dma_wait3A_233, %dma_wait3A_234] : memref<10240x128xf32, #tpu.memory_space<vmem_shared>> -> memref<10240x128xf32, #tpu.memory_space<vmem_shared>>
        tpu.wait_indirect_dma semaphore(%arg27 : memref<!tpu.dma_semaphore, #tpu.memory_space<semaphore_mem>>) src(%arg12 : memref<64x128xf32, #tpu.memory_space<vmem>>) dst(%dma_wait3A_235 : memref<10240x128xf32, #tpu.memory_space<vmem_shared>>)
      } else {
      }
      %add3A_216 = arith.constant 3 : i32
      %add3A_217 = arith.addi %add3A_210, %add3A_216 : i32
      %lt3A_218 = arith.constant 156 : i32
      %lt3A_219 = arith.cmpi slt, %add3A_217, %lt3A_218 : i32
      %convert_element_type3A_220 = arith.extui %lt3A_219 : i1 to i32
      %cond3A_221 = arith.constant 0 : i32
      %cond3A_222 = arith.cmpi ne, %convert_element_type3A_220, %cond3A_221 : i32
      scf.if %cond3A_222 {
        %add3A_233 = arith.constant 3 : i32
        %add3A_234 = arith.addi %add3A_210, %add3A_233 : i32
        %mul3A_235 = arith.constant 64 : i32
        %mul3A_236 = arith.muli %add3A_234, %mul3A_235 : i32
        %dma_start3A_237 = tpu.memref_slice %arg5[%mul3A_236] : memref<10000xi32, #tpu.memory_space<vmem>> -> memref<64xi32, #tpu.memory_space<vmem>>
        %dma_start3A_238 = arith.constant 0 : i32
        %dma_start3A_239 = arith.constant 0 : i32
        %dma_start3A_240 = tpu.memref_slice %arg2[%dma_start3A_238, %dma_start3A_239] : memref<10000x128xf32, #tpu.memory_space<hbm>> -> memref<10000x128xf32, #tpu.memory_space<hbm>>
        tpu.enqueue_indirect_dma source(%dma_start3A_240 : memref<10000x128xf32, #tpu.memory_space<hbm>>) target(%arg12 : memref<64x128xf32, #tpu.memory_space<vmem>>) offsets(%dma_start3A_237 : memref<64xi32, #tpu.memory_space<vmem>>) semaphore(%arg23 : memref<!tpu.dma_semaphore, #tpu.memory_space<semaphore_mem>>)
        %add3A_241 = arith.constant 320000 : i32
        %add3A_242 = arith.addi %add3A_241, %mul3A_2 : i32
        %add3A_243 = arith.constant 3 : i32
        %add3A_244 = arith.addi %add3A_210, %add3A_243 : i32
        %mul3A_245 = arith.constant 64 : i32
        %mul3A_246 = arith.muli %add3A_244, %mul3A_245 : i32
        %add3A_247 = arith.addi %add3A_242, %mul3A_246 : i32
        %dma_start3A_248 = tpu.memref_slice %arg3[%add3A_247] : memref<640000xi32, #tpu.memory_space<hbm>> -> memref<64xi32, #tpu.memory_space<hbm>>
        %dma_start3A_249 = tpu.memref_slice %arg3[%add3A_247] : memref<640000xi32, #tpu.memory_space<hbm>> -> memref<64xi32, #tpu.memory_space<hbm>>
        tpu.enqueue_dma source(%dma_start3A_249 : memref<64xi32, #tpu.memory_space<hbm>>) target(%arg8 : memref<64xi32, #tpu.memory_space<vmem>>) target_semaphore(%arg19 : memref<!tpu.dma_semaphore, #tpu.memory_space<semaphore_mem>>)
      } else {
      }
      %dma_wait3A_223 = arith.constant 192 : i32
      %dma_wait3A_224 = tpu.memref_slice %arg5[%dma_wait3A_223] : memref<10000xi32, #tpu.memory_space<vmem>> -> memref<64xi32, #tpu.memory_space<vmem>>
      %dma_wait3A_225 = arith.constant 0 : i32
      %dma_wait3A_226 = arith.constant 0 : i32
      %dma_wait3A_227 = tpu.memref_slice %arg2[%dma_wait3A_225, %dma_wait3A_226] : memref<10000x128xf32, #tpu.memory_space<hbm>> -> memref<10000x128xf32, #tpu.memory_space<hbm>>
      tpu.wait_indirect_dma semaphore(%arg24 : memref<!tpu.dma_semaphore, #tpu.memory_space<semaphore_mem>>) src(%dma_wait3A_227 : memref<10000x128xf32, #tpu.memory_space<hbm>>) dst(%arg13 : memref<64x128xf32, #tpu.memory_space<vmem>>)
      %dma_wait3A_228 = tpu.memref_slice %arg3[%add3A_62] : memref<640000xi32, #tpu.memory_space<hbm>> -> memref<64xi32, #tpu.memory_space<hbm>>
      %dma_wait3A_229 = tpu.memref_slice %arg3[%add3A_62] : memref<640000xi32, #tpu.memory_space<hbm>> -> memref<64xi32, #tpu.memory_space<hbm>>
      tpu.wait_dma2 semaphore(%arg20 : memref<!tpu.dma_semaphore, #tpu.memory_space<semaphore_mem>>) src(%dma_wait3A_229 : memref<64xi32, #tpu.memory_space<hbm>>) dst(%arg9 : memref<64xi32, #tpu.memory_space<vmem>>)
      %dma_start3A_230 = arith.constant 0 : i32
      %dma_start3A_231 = arith.constant 0 : i32
      %dma_start3A_232 = tpu.memref_slice %arg16[%dma_start3A_230, %dma_start3A_231] : memref<10240x128xf32, #tpu.memory_space<vmem_shared>> -> memref<10240x128xf32, #tpu.memory_space<vmem_shared>>
      tpu.enqueue_indirect_dma source(%arg13 : memref<64x128xf32, #tpu.memory_space<vmem>>) target(%dma_start3A_232 : memref<10240x128xf32, #tpu.memory_space<vmem_shared>>) offsets(%arg9 : memref<64xi32, #tpu.memory_space<vmem>>) semaphore(%arg28 : memref<!tpu.dma_semaphore, #tpu.memory_space<semaphore_mem>>) {add = true}
    }
    %scan3A_67 = arith.constant 39 : i32
    %dma_wait3A_68 = arith.constant 0 : i32
    %dma_wait3A_69 = arith.constant 0 : i32
    %dma_wait3A_70 = tpu.memref_slice %arg16[%dma_wait3A_68, %dma_wait3A_69] : memref<10240x128xf32, #tpu.memory_space<vmem_shared>> -> memref<10240x128xf32, #tpu.memory_space<vmem_shared>>
    tpu.wait_indirect_dma semaphore(%arg28 : memref<!tpu.dma_semaphore, #tpu.memory_space<semaphore_mem>>) src(%arg13 : memref<64x128xf32, #tpu.memory_space<vmem>>) dst(%dma_wait3A_70 : memref<10240x128xf32, #tpu.memory_space<vmem_shared>>)
    %dma_wait3A_71 = arith.constant 9984 : i32
    %dma_wait3A_72 = tpu.memref_slice %arg5[%dma_wait3A_71] : memref<10000xi32, #tpu.memory_space<vmem>> -> memref<16xi32, #tpu.memory_space<vmem>>
    %dma_wait3A_73 = arith.constant 0 : i32
    %dma_wait3A_74 = arith.constant 0 : i32
    %dma_wait3A_75 = tpu.memref_slice %arg2[%dma_wait3A_73, %dma_wait3A_74] : memref<10000x128xf32, #tpu.memory_space<hbm>> -> memref<10000x128xf32, #tpu.memory_space<hbm>>
    tpu.wait_indirect_dma semaphore(%arg31 : memref<!tpu.dma_semaphore, #tpu.memory_space<semaphore_mem>>) src(%dma_wait3A_75 : memref<10000x128xf32, #tpu.memory_space<hbm>>) dst(%arg15 : memref<16x128xf32, #tpu.memory_space<vmem>>)
    %dma_wait3A_76 = tpu.memref_slice %arg3[%add3A_25] : memref<640000xi32, #tpu.memory_space<hbm>> -> memref<16xi32, #tpu.memory_space<hbm>>
    %dma_wait3A_77 = tpu.memref_slice %arg3[%add3A_25] : memref<640000xi32, #tpu.memory_space<hbm>> -> memref<16xi32, #tpu.memory_space<hbm>>
    tpu.wait_dma2 semaphore(%arg30 : memref<!tpu.dma_semaphore, #tpu.memory_space<semaphore_mem>>) src(%dma_wait3A_77 : memref<16xi32, #tpu.memory_space<hbm>>) dst(%arg14 : memref<16xi32, #tpu.memory_space<vmem>>)
    "tpu.region"() ({
      %run_scoped3A = tpu.sem_alloc : memref<!tpu.dma_semaphore, #tpu.memory_space<semaphore_mem>>
      %dma_start3A_134 = arith.constant 0 : i32
      %dma_start3A_135 = arith.constant 0 : i32
      %dma_start3A_136 = tpu.memref_slice %arg16[%dma_start3A_134, %dma_start3A_135] : memref<10240x128xf32, #tpu.memory_space<vmem_shared>> -> memref<10240x128xf32, #tpu.memory_space<vmem_shared>>
      tpu.enqueue_indirect_dma source(%arg15 : memref<16x128xf32, #tpu.memory_space<vmem>>) target(%dma_start3A_136 : memref<10240x128xf32, #tpu.memory_space<vmem_shared>>) offsets(%arg14 : memref<16xi32, #tpu.memory_space<vmem>>) semaphore(%run_scoped3A : memref<!tpu.dma_semaphore, #tpu.memory_space<semaphore_mem>>) {add = true}
      %dma_wait3A_137 = arith.constant 0 : i32
      %dma_wait3A_138 = arith.constant 0 : i32
      %dma_wait3A_139 = tpu.memref_slice %arg16[%dma_wait3A_137, %dma_wait3A_138] : memref<10240x128xf32, #tpu.memory_space<vmem_shared>> -> memref<10240x128xf32, #tpu.memory_space<vmem_shared>>
      tpu.wait_indirect_dma semaphore(%run_scoped3A : memref<!tpu.dma_semaphore, #tpu.memory_space<semaphore_mem>>) src(%arg15 : memref<16x128xf32, #tpu.memory_space<vmem>>) dst(%dma_wait3A_139 : memref<10240x128xf32, #tpu.memory_space<vmem_shared>>)
      tpu.yield
    }) : () -> ()
    %barrier3A_78 = arith.constant 0 : index
    tpu.barrier barrier_id(%barrier3A_78)
    %mul3A_79 = arith.constant 624 : i32
    %mul3A_80 = arith.muli %arg1, %mul3A_79 : i32
    %add3A_81 = arith.constant 0 : i32
    %add3A_82 = arith.addi %mul3A_80, %add3A_81 : i32
    %mul3A_83 = arith.constant 624 : i32
    %mul3A_84 = arith.muli %arg1, %mul3A_83 : i32
    %add3A_85 = arith.constant 0 : i32
    %add3A_86 = arith.addi %mul3A_84, %add3A_85 : i32
    %dma_start3A_87 = arith.constant 0 : i32
    %dma_start3A_88 = arith.constant 0 : i32
    %dma_start3A_89 = tpu.memref_slice %arg4[%arg0, %dma_start3A_87, %dma_start3A_88] : memref<2x10000x128xf32, #tpu.memory_space<hbm>> -> memref<1x10000x128xf32, #tpu.memory_space<hbm>>
    %dma_start3A_90 = tpu.memref_squeeze %dma_start3A_89 : memref<1x10000x128xf32, #tpu.memory_space<hbm>> -> memref<10000x128xf32, #tpu.memory_space<hbm>>
    %dma_start3A_91 = arith.constant 0 : i32
    %dma_start3A_92 = tpu.memref_slice %dma_start3A_90[%add3A_86, %dma_start3A_91] : memref<10000x128xf32, #tpu.memory_space<hbm>> -> memref<312x128xf32, #tpu.memory_space<hbm>>
    %dma_start3A_93 = arith.constant 0 : i32
    %dma_start3A_94 = tpu.memref_slice %arg16[%add3A_82, %dma_start3A_93] : memref<10240x128xf32, #tpu.memory_space<vmem_shared>> -> memref<312x128xf32, #tpu.memory_space<vmem_shared>>
    tpu.enqueue_dma source(%dma_start3A_94 : memref<312x128xf32, #tpu.memory_space<vmem_shared>>) target(%dma_start3A_92 : memref<312x128xf32, #tpu.memory_space<hbm>>) target_semaphore(%arg21 : memref<!tpu.dma_semaphore, #tpu.memory_space<semaphore_mem>>)
    %mul3A_95 = arith.constant 624 : i32
    %mul3A_96 = arith.muli %arg1, %mul3A_95 : i32
    %add3A_97 = arith.constant 312 : i32
    %add3A_98 = arith.addi %mul3A_96, %add3A_97 : i32
    %mul3A_99 = arith.constant 624 : i32
    %mul3A_100 = arith.muli %arg1, %mul3A_99 : i32
    %add3A_101 = arith.constant 312 : i32
    %add3A_102 = arith.addi %mul3A_100, %add3A_101 : i32
    %dma_start3A_103 = arith.constant 0 : i32
    %dma_start3A_104 = arith.constant 0 : i32
    %dma_start3A_105 = tpu.memref_slice %arg4[%arg0, %dma_start3A_103, %dma_start3A_104] : memref<2x10000x128xf32, #tpu.memory_space<hbm>> -> memref<1x10000x128xf32, #tpu.memory_space<hbm>>
    %dma_start3A_106 = tpu.memref_squeeze %dma_start3A_105 : memref<1x10000x128xf32, #tpu.memory_space<hbm>> -> memref<10000x128xf32, #tpu.memory_space<hbm>>
    %dma_start3A_107 = arith.constant 0 : i32
    %dma_start3A_108 = tpu.memref_slice %dma_start3A_106[%add3A_102, %dma_start3A_107] : memref<10000x128xf32, #tpu.memory_space<hbm>> -> memref<312x128xf32, #tpu.memory_space<hbm>>
    %dma_start3A_109 = arith.constant 0 : i32
    %dma_start3A_110 = tpu.memref_slice %arg16[%add3A_98, %dma_start3A_109] : memref<10240x128xf32, #tpu.memory_space<vmem_shared>> -> memref<312x128xf32, #tpu.memory_space<vmem_shared>>
    tpu.enqueue_dma source(%dma_start3A_110 : memref<312x128xf32, #tpu.memory_space<vmem_shared>>) target(%dma_start3A_108 : memref<312x128xf32, #tpu.memory_space<hbm>>) target_semaphore(%arg22 : memref<!tpu.dma_semaphore, #tpu.memory_space<semaphore_mem>>)
    %eq3A = arith.constant 0 : i32
    %eq3A_111 = arith.cmpi eq, %arg1, %eq3A : i32
    %convert_element_type3A = arith.extui %eq3A_111 : i1 to i32
    %cond3A = arith.constant 0 : i32
    %cond3A_112 = arith.cmpi ne, %convert_element_type3A, %cond3A : i32
    scf.if %cond3A_112 {
      %dma_start3A_134 = arith.constant 0 : i32
      %dma_start3A_135 = arith.constant 0 : i32
      %dma_start3A_136 = tpu.memref_slice %arg4[%arg0, %dma_start3A_134, %dma_start3A_135] : memref<2x10000x128xf32, #tpu.memory_space<hbm>> -> memref<1x10000x128xf32, #tpu.memory_space<hbm>>
      %dma_start3A_137 = tpu.memref_squeeze %dma_start3A_136 : memref<1x10000x128xf32, #tpu.memory_space<hbm>> -> memref<10000x128xf32, #tpu.memory_space<hbm>>
      %dma_start3A_138 = arith.constant 9984 : i32
      %dma_start3A_139 = arith.constant 0 : i32
      %dma_start3A_140 = tpu.memref_slice %dma_start3A_137[%dma_start3A_138, %dma_start3A_139] : memref<10000x128xf32, #tpu.memory_space<hbm>> -> memref<16x128xf32, #tpu.memory_space<hbm>>
      %dma_start3A_141 = arith.constant 9984 : i32
      %dma_start3A_142 = arith.constant 0 : i32
      %dma_start3A_143 = tpu.memref_slice %arg16[%dma_start3A_141, %dma_start3A_142] : memref<10240x128xf32, #tpu.memory_space<vmem_shared>> -> memref<16x128xf32, #tpu.memory_space<vmem_shared>>
      tpu.enqueue_dma source(%dma_start3A_143 : memref<16x128xf32, #tpu.memory_space<vmem_shared>>) target(%dma_start3A_140 : memref<16x128xf32, #tpu.memory_space<hbm>>) target_semaphore(%arg23 : memref<!tpu.dma_semaphore, #tpu.memory_space<semaphore_mem>>)
    } else {
    }
    %dma_wait3A_113 = arith.constant 0 : i32
    %dma_wait3A_114 = arith.constant 0 : i32
    %dma_wait3A_115 = tpu.memref_slice %arg4[%arg0, %dma_wait3A_113, %dma_wait3A_114] : memref<2x10000x128xf32, #tpu.memory_space<hbm>> -> memref<1x10000x128xf32, #tpu.memory_space<hbm>>
    %dma_wait3A_116 = tpu.memref_squeeze %dma_wait3A_115 : memref<1x10000x128xf32, #tpu.memory_space<hbm>> -> memref<10000x128xf32, #tpu.memory_space<hbm>>
    %dma_wait3A_117 = arith.constant 0 : i32
    %dma_wait3A_118 = tpu.memref_slice %dma_wait3A_116[%add3A_86, %dma_wait3A_117] : memref<10000x128xf32, #tpu.memory_space<hbm>> -> memref<312x128xf32, #tpu.memory_space<hbm>>
    %dma_wait3A_119 = arith.constant 0 : i32
    %dma_wait3A_120 = tpu.memref_slice %arg16[%add3A_82, %dma_wait3A_119] : memref<10240x128xf32, #tpu.memory_space<vmem_shared>> -> memref<312x128xf32, #tpu.memory_space<vmem_shared>>
    tpu.wait_dma2 semaphore(%arg21 : memref<!tpu.dma_semaphore, #tpu.memory_space<semaphore_mem>>) src(%dma_wait3A_120 : memref<312x128xf32, #tpu.memory_space<vmem_shared>>) dst(%dma_wait3A_118 : memref<312x128xf32, #tpu.memory_space<hbm>>)
    %dma_wait3A_121 = arith.constant 0 : i32
    %dma_wait3A_122 = arith.constant 0 : i32
    %dma_wait3A_123 = tpu.memref_slice %arg4[%arg0, %dma_wait3A_121, %dma_wait3A_122] : memref<2x10000x128xf32, #tpu.memory_space<hbm>> -> memref<1x10000x128xf32, #tpu.memory_space<hbm>>
    %dma_wait3A_124 = tpu.memref_squeeze %dma_wait3A_123 : memref<1x10000x128xf32, #tpu.memory_space<hbm>> -> memref<10000x128xf32, #tpu.memory_space<hbm>>
    %dma_wait3A_125 = arith.constant 0 : i32
    %dma_wait3A_126 = tpu.memref_slice %dma_wait3A_124[%add3A_102, %dma_wait3A_125] : memref<10000x128xf32, #tpu.memory_space<hbm>> -> memref<312x128xf32, #tpu.memory_space<hbm>>
    %dma_wait3A_127 = arith.constant 0 : i32
    %dma_wait3A_128 = tpu.memref_slice %arg16[%add3A_98, %dma_wait3A_127] : memref<10240x128xf32, #tpu.memory_space<vmem_shared>> -> memref<312x128xf32, #tpu.memory_space<vmem_shared>>
    tpu.wait_dma2 semaphore(%arg22 : memref<!tpu.dma_semaphore, #tpu.memory_space<semaphore_mem>>) src(%dma_wait3A_128 : memref<312x128xf32, #tpu.memory_space<vmem_shared>>) dst(%dma_wait3A_126 : memref<312x128xf32, #tpu.memory_space<hbm>>)
    %eq3A_129 = arith.constant 0 : i32
    %eq3A_130 = arith.cmpi eq, %arg1, %eq3A_129 : i32
    %convert_element_type3A_131 = arith.extui %eq3A_130 : i1 to i32
    %cond3A_132 = arith.constant 0 : i32
    %cond3A_133 = arith.cmpi ne, %convert_element_type3A_131, %cond3A_132 : i32
    scf.if %cond3A_133 {
      %dma_wait3A_134 = arith.constant 0 : i32
      %dma_wait3A_135 = arith.constant 0 : i32
      %dma_wait3A_136 = tpu.memref_slice %arg4[%arg0, %dma_wait3A_134, %dma_wait3A_135] : memref<2x10000x128xf32, #tpu.memory_space<hbm>> -> memref<1x10000x128xf32, #tpu.memory_space<hbm>>
      %dma_wait3A_137 = tpu.memref_squeeze %dma_wait3A_136 : memref<1x10000x128xf32, #tpu.memory_space<hbm>> -> memref<10000x128xf32, #tpu.memory_space<hbm>>
      %dma_wait3A_138 = arith.constant 9984 : i32
      %dma_wait3A_139 = arith.constant 0 : i32
      %dma_wait3A_140 = tpu.memref_slice %dma_wait3A_137[%dma_wait3A_138, %dma_wait3A_139] : memref<10000x128xf32, #tpu.memory_space<hbm>> -> memref<16x128xf32, #tpu.memory_space<hbm>>
      %dma_wait3A_141 = arith.constant 9984 : i32
      %dma_wait3A_142 = arith.constant 0 : i32
      %dma_wait3A_143 = tpu.memref_slice %arg16[%dma_wait3A_141, %dma_wait3A_142] : memref<10240x128xf32, #tpu.memory_space<vmem_shared>> -> memref<16x128xf32, #tpu.memory_space<vmem_shared>>
      tpu.wait_dma2 semaphore(%arg23 : memref<!tpu.dma_semaphore, #tpu.memory_space<semaphore_mem>>) src(%dma_wait3A_143 : memref<16x128xf32, #tpu.memory_space<vmem_shared>>) dst(%dma_wait3A_140 : memref<16x128xf32, #tpu.memory_space<hbm>>)
    } else {
    }
    return
  }
}

module attributes {stable_mosaic.version = 14 : i64} {
  func.func @body(%arg0: i32, %arg1: memref<2000x128xf32, #tpu.memory_space<vmem>>, %arg2: memref<2x2000x128xf32, #tpu.memory_space<vmem>>, %arg3: memref<128x128xf32, #tpu.memory_space<vmem>>, %arg4: memref<1x128xf32, #tpu.memory_space<vmem>>, %arg5: memref<128x128xf32, #tpu.memory_space<vmem>>, %arg6: memref<1x128xf32, #tpu.memory_space<vmem>>, %arg7: memref<1x128xf32, #tpu.memory_space<vmem>>, %arg8: memref<2000x128xf32, #tpu.memory_space<vmem>>) attributes {dimension_semantics = [#tpu.dimension_semantics<arbitrary>], iteration_bounds = array<i64: 5>, scalar_prefetch = 0 : i64, scratch_operands = 0 : i64, tpu.core_type = #tpu.core_type<tc>, window_params = [{transform_indices = @transform_0, window_bounds = array<i64: 2000, 128>}, {transform_indices = @transform_1, window_bounds = array<i64: 2, 2000, 128>}, {pipeline_mode = #tpu.pipeline_mode<synchronous>, transform_indices = @transform_2, window_bounds = array<i64: 128, 128>}, {pipeline_mode = #tpu.pipeline_mode<synchronous>, transform_indices = @transform_3, window_bounds = array<i64: 1, 128>}, {pipeline_mode = #tpu.pipeline_mode<synchronous>, transform_indices = @transform_4, window_bounds = array<i64: 128, 128>}, {pipeline_mode = #tpu.pipeline_mode<synchronous>, transform_indices = @transform_5, window_bounds = array<i64: 1, 128>}, {pipeline_mode = #tpu.pipeline_mode<synchronous>, transform_indices = @transform_6, window_bounds = array<i64: 1, 128>}, {transform_indices = @transform_7, window_bounds = array<i64: 2000, 128>}]} {
    %get3A = arith.constant 0 : index
    %get3A_0 = arith.constant 0 : index
    %get3A_1 = vector.load %arg7[%get3A, %get3A_0] : memref<1x128xf32, #tpu.memory_space<vmem>>, vector<1x128xf32>
    %add3A = arith.constant 1.000000e+00 : f32
    %add3A_2 = vector.broadcast %add3A : f32 to vector<1x128xf32>
    %add3A_3 = arith.addf %add3A_2, %get3A_1 : vector<1x128xf32>
    %get3A_4 = arith.constant 0 : index
    %get3A_5 = arith.constant 0 : index
    %get3A_6 = vector.load %arg1[%get3A_4, %get3A_5] : memref<2000x128xf32, #tpu.memory_space<vmem>>, vector<2000x128xf32>
    %mul3A = vector.broadcast %add3A_3 : vector<1x128xf32> to vector<2000x128xf32>
    %mul3A_7 = arith.mulf %mul3A, %get3A_6 : vector<2000x128xf32>
    %get3A_8 = arith.constant 0 : index
    %get3A_9 = arith.constant 0 : index
    %get3A_10 = arith.constant 0 : index
    %get3A_11 = vector.load %arg2[%get3A_8, %get3A_9, %get3A_10] : memref<2x2000x128xf32, #tpu.memory_space<vmem>>, vector<1x2000x128xf32>
    %get3A_12 = vector.shape_cast %get3A_11 : vector<1x2000x128xf32> to vector<2000x128xf32>
    %add3A_13 = arith.addf %mul3A_7, %get3A_12 : vector<2000x128xf32>
    %get3A_14 = arith.constant 1 : index
    %get3A_15 = arith.constant 0 : index
    %get3A_16 = arith.constant 0 : index
    %get3A_17 = vector.load %arg2[%get3A_14, %get3A_15, %get3A_16] : memref<2x2000x128xf32, #tpu.memory_space<vmem>>, vector<1x2000x128xf32>
    %get3A_18 = vector.shape_cast %get3A_17 : vector<1x2000x128xf32> to vector<2000x128xf32>
    %add3A_19 = arith.addf %add3A_13, %get3A_18 : vector<2000x128xf32>
    %get3A_20 = arith.constant 0 : index
    %get3A_21 = arith.constant 0 : index
    %get3A_22 = vector.load %arg3[%get3A_20, %get3A_21] : memref<128x128xf32, #tpu.memory_space<vmem>>, vector<128x128xf32>
    %dot_general3A = arith.constant dense<0.000000e+00> : vector<2000x128xf32>
    %dot_general3A_23 = tpu.matmul %add3A_19, %get3A_22, %dot_general3A {dimension_numbers = #tpu.dot_dimension_numbers<[1], [0], [0], [1], [0, 0, 1, 1], [], []>, transpose_lhs_hint = false} : vector<2000x128xf32>, vector<128x128xf32>, vector<2000x128xf32> -> vector<2000x128xf32>
    %get3A_24 = arith.constant 0 : index
    %get3A_25 = arith.constant 0 : index
    %get3A_26 = vector.load %arg4[%get3A_24, %get3A_25] : memref<1x128xf32, #tpu.memory_space<vmem>>, vector<1x128xf32>
    %add3A_27 = vector.broadcast %get3A_26 : vector<1x128xf32> to vector<2000x128xf32>
    %add3A_28 = arith.addf %dot_general3A_23, %add3A_27 : vector<2000x128xf32>
    %max3A = arith.constant 0.000000e+00 : f32
    %max3A_29 = vector.broadcast %max3A : f32 to vector<2000x128xf32>
    %max3A_30 = arith.maximumf %add3A_28, %max3A_29 : vector<2000x128xf32>
    %get3A_31 = arith.constant 0 : index
    %get3A_32 = arith.constant 0 : index
    %get3A_33 = vector.load %arg5[%get3A_31, %get3A_32] : memref<128x128xf32, #tpu.memory_space<vmem>>, vector<128x128xf32>
    %dot_general3A_34 = arith.constant dense<0.000000e+00> : vector<2000x128xf32>
    %dot_general3A_35 = tpu.matmul %max3A_30, %get3A_33, %dot_general3A_34 {dimension_numbers = #tpu.dot_dimension_numbers<[1], [0], [0], [1], [0, 0, 1, 1], [], []>, transpose_lhs_hint = false} : vector<2000x128xf32>, vector<128x128xf32>, vector<2000x128xf32> -> vector<2000x128xf32>
    %get3A_36 = arith.constant 0 : index
    %get3A_37 = arith.constant 0 : index
    %get3A_38 = vector.load %arg6[%get3A_36, %get3A_37] : memref<1x128xf32, #tpu.memory_space<vmem>>, vector<1x128xf32>
    %add3A_39 = vector.broadcast %get3A_38 : vector<1x128xf32> to vector<2000x128xf32>
    %add3A_40 = arith.addf %dot_general3A_35, %add3A_39 : vector<2000x128xf32>
    %swap3A = arith.constant 0 : index
    %swap3A_41 = arith.constant 0 : index
    %swap3A_42 = vector.load %arg8[%swap3A, %swap3A_41] : memref<2000x128xf32, #tpu.memory_space<vmem>>, vector<2000x128xf32>
    tpu.vector_store %arg8[%swap3A, %swap3A_41], %add3A_40 {strides = array<i32>} : memref<2000x128xf32, #tpu.memory_space<vmem>>, vector<2000x128xf32>,
    return
  }
  func.func @transform_0(%arg0: i32) -> (i32, i32) {
    %c0_i32 = arith.constant 0 : i32
    %c0_i32_0 = arith.constant 0 : i32
    return %arg0, %c0_i32 : i32, i32
  }
  func.func @transform_1(%arg0: i32) -> (i32, i32, i32) {
    %c0_i32 = arith.constant 0 : i32
    %c0_i32_0 = arith.constant 0 : i32
    %c0_i32_1 = arith.constant 0 : i32
    return %c0_i32, %arg0, %c0_i32_0 : i32, i32, i32
  }
  func.func @transform_2(%arg0: i32) -> (i32, i32) {
    %c0_i32 = arith.constant 0 : i32
    %c0_i32_0 = arith.constant 0 : i32
    %c0_i32_1 = arith.constant 0 : i32
    return %c0_i32, %c0_i32_0 : i32, i32
  }
  func.func @transform_3(%arg0: i32) -> (i32, i32) {
    %c0_i32 = arith.constant 0 : i32
    %c0_i32_0 = arith.constant 0 : i32
    %c0_i32_1 = arith.constant 0 : i32
    return %c0_i32, %c0_i32_0 : i32, i32
  }
  func.func @transform_4(%arg0: i32) -> (i32, i32) {
    %c0_i32 = arith.constant 0 : i32
    %c0_i32_0 = arith.constant 0 : i32
    %c0_i32_1 = arith.constant 0 : i32
    return %c0_i32, %c0_i32_0 : i32, i32
  }
  func.func @transform_5(%arg0: i32) -> (i32, i32) {
    %c0_i32 = arith.constant 0 : i32
    %c0_i32_0 = arith.constant 0 : i32
    %c0_i32_1 = arith.constant 0 : i32
    return %c0_i32, %c0_i32_0 : i32, i32
  }
  func.func @transform_6(%arg0: i32) -> (i32, i32) {
    %c0_i32 = arith.constant 0 : i32
    %c0_i32_0 = arith.constant 0 : i32
    %c0_i32_1 = arith.constant 0 : i32
    return %c0_i32, %c0_i32_0 : i32, i32
  }
  func.func @transform_7(%arg0: i32) -> (i32, i32) {
    %c0_i32 = arith.constant 0 : i32
    %c0_i32_0 = arith.constant 0 : i32
    return %arg0, %c0_i32 : i32, i32
  }
}

</mosaic_0001>

<sc_bundles>
// kernel: kernel.4.cloned.1.call-start
scs
__scs_entry_jumppad:
0x0: {  	(pc) =	sbr.rel $0x88, $3  }
0x1: {  	(tag) =	ssettag $0x0;
	lr =	simm.s32 $0x1  }
0x2: {  	[smem:$0x3F9A] =	sst lr;
	_ =	strace $0xD0000000  }
0x3: {  	_ = 	snop  }
0x4: {  	_ = 	snop  }
0x5: {  	_ = 	snop  }
0x6: {  	_ = 	snop  }
0x7: {  	_ = 	snop  }
__scs_overlays_trampoline_lowered:
0x8: {  	[smem:$0x3FA9] =	sst s0  }
0x9: {  	[smem:$0x3FAA] =	sst s1  }
0xa: {  	[smem:$0x3FAB] =	sst s2  }
0xb: {  	[smem:$0x3FAC] =	sst s3  }
0xc: {  	[smem:$0x3FAD] =	sst s4  }
0xd: {  	[smem:$0x3FAE] =	sst s5  }
0xe: {  	[smem:$0x3FAF] =	sst s6  }
0xf: {  	[smem:$0x3FB0] =	sst s7  }
0x10: {  	[smem:$0x3FB1] =	sst s8  }
0x11: {  	[smem:$0x3FB2] =	sst s9;
	s0 =	simm.s32 @!p0 $0x0  }
0x12: {  	s1 =	sld [smem:$0x3F98];
	s0 =	simm.s32 @p0 $0x1  }
0x13: {  	[smem:$0x3FB3] =	sst s0;
	s0 =	simm.s32 @!p1 $0x0  }
0x14: {  	s2 =	sld [smem:$0x3F97];
	s0 =	simm.s32 @p1 $0x1  }
0x15: {  	[smem:$0x3FB4] =	sst s0;
	s0 =	simm.s32 @!p2 $0x0  }
0x16: {  	s3 =	sld [smem:$0x3FDB];
	s0 =	simm.s32 @p2 $0x1  }
0x17: {  	s4 =	simm.s32 $0x1BF5;
	[smem:$0x3FB6] =	sst s0  }
0x18: {  	s0 =	sld [smem:$0x3F99];
	_ =	swait.ge [sflag:s4], $0x0  }
0x19: {  	s7 =	sld [smem:$0x3F9A]  }
0x1a: {  	s8 =	sadd.s32 $0xFFFFE003, lr  }
0x1b: {  	s9 =	sadd.s32 $0xFFFFFEF7, lr;
	s5 =	simm.s32 $0xFFFFFFFF;
	p2 =	slt.u32 s8, $0xFFFFF086  }
0x1c: {  	p1 =	slt.u32 s9, $0xF7A;
	s5 =	simm.s32 @!p2 $0x0  }
0x1d: {  	s5 =	simm.s32 @p1 $0x1;
	p0 =	seq.s32 s7, s2  }
0x1e: {  	s7 =	smul.u32 @!p0 $0xF7A, s2;
	p2 =	seq.s32 @!p0 s5, $0x0  }
0x1f: {  	s9 =	smul.u32 $0xF7A, s1;
	s8 =	simm.s32 @!p0 $0x1BF5;
	p2 =	por !p2, p0  }
0x20: {  	[sflag:s8] =	ssyncset.s32 @!p0 $0xFFFFF086;
	s6 =	sadd.s32 @!p0 s3, s7;
	s7 =	simm.s32 @!p0 $0x108  }
0x21: {  	s3 =	sadd.s32 s3, s9;
	s6 =	sadd.s32 @!p0 $0x88, s6;
	s7 =	simm.s32 @p2 $0x1082  }
0x22: {  	[simem:s7], [sflag:s8] =	dma.local @!p0 [hbm:s6], $0xF7A  }
0x23: {  	s9 =	sor.u32 $0xD0000000, s2;
	s6 =	simm.s32 $0x108;
	_ =	swait.ge @!p0 [sflag:s8], $0x0  }
0x24: {  	s3 =	sadd.s32 $0x88, s3;
	s6 =	simm.s32 @!p1 $0x1082;
	[sflag:s4] =	ssyncset.s32 $0xFFFFF086  }
0x25: {  	[simem:s6], [sflag:s4] =	dma.local [hbm:s3], $0xF7A  }
0x26: {  	[smem:$0x3F9A] =	sst s1;
	(tag) =	ssettag s2;
	_ =	strace s9  }
0x27: {  	s1 =	sld [smem:$0x3FAA]  }
0x28: {  	s2 =	sld [smem:$0x3FAB]  }
0x29: {  	s4 =	sld [smem:$0x3FAD]  }
0x2a: {  	p0 =	seq.s32 s5, $0x0;
	s5 =	sld [smem:$0x3FAE]  }
0x2b: {  	s6 =	sld [smem:$0x3FAF]  }
0x2c: {  	s7 =	sld [smem:$0x3FB0]  }
0x2d: {  	s3 =	simm.s32 $0x108;
	s8 =	sld [smem:$0x3FB1]  }
0x2e: {  	s3 =	simm.s32 @!p0 $0x1082;
	s9 =	sld [smem:$0x3FB2]  }
0x2f: {  	lr =	sadd.s32 s0, s3;
	s0 =	sld [smem:$0x3FA9]  }
0x30: {  	s3 =	sld [smem:$0x3FAC]  }
0x31: {  	[smem:$0x3FB5] =	sst s10  }
0x32: {  	s10 =	sld [smem:$0x3FB3];
	_ =	sdelay $0x3  }
0x33: {  	p0 =	seq.s32 s10, $0x1;
	s10 =	sld [smem:$0x3FB5];
	_ =	sdelay $0x3  }
0x34: {  	[smem:$0x3FB5] =	sst s10  }
0x35: {  	s10 =	sld [smem:$0x3FB4];
	_ =	sdelay $0x3  }
0x36: {  	p1 =	seq.s32 s10, $0x1;
	s10 =	sld [smem:$0x3FB5];
	_ =	sdelay $0x3  }
0x37: {  	[smem:$0x3FB5] =	sst s10  }
0x38: {  	s10 =	sld [smem:$0x3FB6]  }
0x39: {  	_ = 	snop;
	(pc) =	sbr.ind lr, $3  }
0x3a: {  	_ = 	snop  }
0x3b: {  	_ = 	snop  }
0x3c: {  	p2 =	seq.s32 s10, $0x1;
	s10 =	sld [smem:$0x3FB5]  }
0x3d: {  	_ =	shalt  }
0x3e: {  	_ =	shalt  }
0x3f: {  	_ =	shalt  }
0x40: {  	_ =	shalt  }
0x41: {  	_ =	shalt  }
0x42: {  	_ =	shalt  }
0x43: {  	_ =	shalt  }
0x44: {  	_ =	shalt  }
0x45: {  	_ =	shalt  }
0x46: {  	_ =	shalt  }
0x47: {  	_ =	shalt  }
0x48: {  	_ =	shalt  }
0x49: {  	_ =	shalt  }
0x4a: {  	_ =	shalt  }
0x4b: {  	_ =	shalt  }
0x4c: {  	_ =	shalt  }
0x4d: {  	_ =	shalt  }
0x4e: {  	_ =	shalt  }
0x4f: {  	_ =	shalt  }
0x50: {  	_ =	shalt  }
0x51: {  	_ =	shalt  }
0x52: {  	_ =	shalt  }
0x53: {  	_ =	shalt  }
0x54: {  	_ =	shalt  }
0x55: {  	_ =	shalt  }
0x56: {  	_ =	shalt  }
0x57: {  	_ =	shalt  }
0x58: {  	_ =	shalt  }
0x59: {  	_ =	shalt  }
0x5a: {  	_ =	shalt  }
0x5b: {  	_ =	shalt  }
0x5c: {  	_ =	shalt  }
0x5d: {  	_ =	shalt  }
0x5e: {  	_ =	shalt  }
0x5f: {  	_ =	shalt  }
0x60: {  	_ =	shalt  }
0x61: {  	_ =	shalt  }
0x62: {  	_ =	shalt  }
0x63: {  	_ =	shalt  }
0x64: {  	_ =	shalt  }
0x65: {  	_ =	shalt  }
0x66: {  	_ =	shalt  }
0x67: {  	_ =	shalt  }
0x68: {  	_ =	shalt  }
0x69: {  	_ =	shalt  }
0x6a: {  	_ =	shalt  }
0x6b: {  	_ =	shalt  }
0x6c: {  	_ =	shalt  }
0x6d: {  	_ =	shalt  }
0x6e: {  	_ =	shalt  }
0x6f: {  	_ =	shalt  }
0x70: {  	_ =	shalt  }
0x71: {  	_ =	shalt  }
0x72: {  	_ =	shalt  }
0x73: {  	_ =	shalt  }
0x74: {  	_ =	shalt  }
0x75: {  	_ =	shalt  }
0x76: {  	_ =	shalt  }
0x77: {  	_ =	shalt  }
0x78: {  	_ =	shalt  }
0x79: {  	_ =	shalt  }
0x7a: {  	_ =	shalt  }
0x7b: {  	_ =	shalt  }
0x7c: {  	_ =	shalt  }
0x7d: {  	_ =	shalt  }
0x7e: {  	_ =	shalt  }
0x7f: {  	_ =	shalt  }
0x80: {  	_ =	shalt  }
0x81: {  	_ =	shalt  }
0x82: {  	_ =	shalt  }
0x83: {  	_ =	shalt  }
0x84: {  	_ =	shalt  }
0x85: {  	_ =	shalt  }
0x86: {  	_ =	shalt  }
0x87: {  	_ =	shalt  }
.Lfunc_end0:
.L_simem_size_0:
called_computation_lowered:
.L_overlay_start_0:
0x88: {  	s2 =	sld [smem:$0x3FD9]  }
0x89: {  	s3 =	sld [smem:$0x3FFE];
	_ =	sdelay $0x1  }
0x8a: {  	s1 =	srdreg.scid  }
0x8b: {  	s0 =	sand.u32 $0x1, s1  }
0x8c: {  	s17 =	sshll.u32 s0, $0xA;
	s2 =	sadd.s32 s3, s2  }
0x8d: {  	s2 =	sadd.s32 s2, s17  }
0x8e: {  	[smem:$0x3FC1] =	sst s2  }
0x8f: {  	_ = 	snop  }
0x90: {  	s2 =	sld [smem:$0x3FC9]  }
0x91: {  	s18 =	sld [smem:$0x3FD0];
	(tm) =	ssettm $0x1  }
0x92: {  	s4 =	sld [smem:$0x3FFB];
	_ =	sdelay $0x3  }
0x93: {  	_ =	strace s4  }
0x94: {  	s4 =	sld [smem:$0x3FFC];
	_ =	sdelay $0x3  }
0x95: {  	_ =	strace s4  }
0x96: {  	s4 =	sld [smem:$0x3FFD];
	_ =	sdelay $0x3  }
0x97: {  	_ =	strace s4  }
0x98: {  	_ =	strace $0x8FFFFFFF  }
0x99: {  	s19 =	sld [smem:$0x3FDB];
	_ =	sdelay $0x1  }
0x9a: {  	s5 =	simm.s32 $_scs_section_size  }
0x9b: {  	s6 =	simm.s32 $_size__tile_overlayer_lowered;
	s7 =	simm.s32 $_tile_overlayer_lowered  }
0x9c: {  	s22 =	simm.s32 $0x1BFF;
	s21 =	sshll.u32 s7, $0x1;
	s4 =	sadd.s32 s5, s19  }
0x9d: {  	s8 =	simm.s32 $0x0;
	s20 =	sshll.u32 s6, $0x1;
	s6 =	sadd.s32 s21, s4  }
0x9e: {  	[timem:s8], [sflag:s22] =	dma.local [hbm:s6], s20  }
0x9f: {  	_ =	swait.ge [sflag:s22], s20  }
0xa0: {  	s5 =	ssub.s32 $0x0, s20;
	[sflag:s22] =	ssyncset.done $0x0  }
0xa1: {  	[sflag:s22] =	ssyncadd.s32 s5;
	_ =	sdelay $0x1  }
0xa2: {  	s23 =	simm.s32 $0x1B8B  }
0xa3: {  	_ =	swait.ge [sflag:s23], $0x1  }
0xa4: {  	[sflag:s23] =	ssyncset.done $0x0  }
0xa5: {  	s25 =	simm.s32 $0x1B8E;
	s24 =	sld [smem:$0x3FFE];
	[sflag:s23] =	ssyncadd.s32 $0xFFFFFFFF  }
0xa6: {  	s26 =	simm.s32 $execute0_lowered;
	[smem:$0x3FD2] =	sst s25  }
0xa7: {  	s6 =	sshll.u32 s26, $0x1;
	_ =	strace $0x80000046;
	[dreg:$0x1] =	wrdreg $0xFFFFFFFF  }
0xa8: {  	s28 =	simm.s32 $_size_execute0_lowered;
	s4 =	sadd.s32 s4, s6;
	[dreg:$0x0] =	wrdreg $0x0  }
0xa9: {  	s6 =	sshll.u32 s28, $0x1;
	[dreg:$0x2] =	wrdreg s4  }
0xaa: {  	[dreg:$0x3] =	wrdreg s6  }
0xab: {  	[dreg:$0x4] =	wrdreg $0xC0  }
0xac: {  	_ =	task [dreg:s8], $0x5FFFF  }
0xad: {  	[dreg:$0x1] =	wrdreg $0xFFFFFFFF  }
0xae: {  	[dreg:$0x0] =	wrdreg $0x60  }
0xaf: {  	[dreg:$0x2] =	wrdreg s2  }
0xb0: {  	[dreg:$0x3] =	wrdreg s18  }
0xb1: {  	[dreg:$0x4] =	wrdreg s24  }
0xb2: {  	[dreg:$0x5] =	wrdreg $0xB2000  }
0xb3: {  	[dreg:$0x6] =	wrdreg $0x9  }
0xb4: {  	_ =	task.clear_ibuf [dreg:s8], $0x7FFFF;
	_ =	strace $0x90000046  }
0xb5: {  	s29 =	simm.s32 $0x9;
	_ =	strace $0x80000048  }
0xb6: {  	_ =	swait.ge [sflag:s29], $0x1  }
0xb7: {  	[sflag:s29] =	ssyncadd.s32 $0xFFFFFFFF  }
0xb8: {  	_ =	strace $0x90000048  }
0xb9: {  	_ =	sfence  }
0xba: {  	s30 =	sld [smem:$0x0];
	_ =	sdelay $0x2  }
0xbb: {  	s31 =	sshll.u32 s1, $0xD;
	s1 =	sshrl.u32 s1, $0x2  }
0xbc: {  	s3 =	sand.u32 $0x4000, s31;
	s1 =	sadd.s32 s1, s30  }
0xbd: {  	s0 =	sor.u32 s3, s0;
	s1 =	sshll.u32 s1, $0x11  }
0xbe: {  	s0 =	sor.u32 s1, s0  }
0xbf: {  	s0 =	sadd.s32 $0x8F2B, s0  }
0xc0: {  	[sflag:s0] =	ssyncadd.remote.s32 $0x1  }
0xc1: {  	_ =	sfence.sel $0xFFFF  }
0xc2: {  	[dreg:$0x0] =	wrdreg $0xFFFFFFFF;
	(pc) =	sbr.abs _section_cstart, $3  }
0xc3: {  	[dreg:$0x1] =	wrdreg $0xFFFFFFFF  }
0xc4: {  	_ =	task.clear_ibuf [dreg:s8], $0x2FFFF;
	_ =	strace $0x9FFFFFFF  }
0xc5: {  	(tm) =	ssettm $0x7FFFFFFF  }
tec
execute0_lowered:
.L_overlay_start_1:
0x0: {  	(tag) =	ssettag $0x1  }
0x1: {  	s0 =	rddreg [dreg:$0x0]  }
0x2: {  	s1 =	rddreg [dreg:$0x1];
	s12 =	stileid.u32  }
0x3: {  	s3 =	rddreg [dreg:$0x2];
	s20 =	smul.u32 $0x50000, s12  }
0x4: {  	s2 =	rddreg [dreg:$0x3];
	s23 =	smul.u32 $0x270, s12  }
0x5: {  	s4 =	srdreg.scid;
	s24 =	smul.u32 $0x4E000, s12  }
0x6: {  	s5 =	sand.u32 $0x1, s4;
	s6 =	sshll.u32 s12, $0x1;
	s25 =	smul.u32 $0x4E20, s12  }
0x7: {  	s4 =	simm.s32 $0x0;
	s29 =	smul.u32 $0x2700, s12;
	p0 =	sne.s32 s12, $0x0  }
0x8: {  	s12 =	simm.s32 $0x6980;
	s7 =	smul.u32 $0x27100, s5;
	s6 =	sor.u32 s5, s6  }
0x9: {  	[smem:$0x7FF] =	sst s4;
	s8 =	ssub.s32 $0x2, s5;
	s5 =	smul.u32 $0x2710, s5  }
0xa: {  	s6 =	smul.u32 $0x2710, s6;
	_ =	strace $0x80000047;
	s19 =	sshrl.u32 s8, $0x1  }
0xb: {  	s3 =	sadd.s32 s7, s3;
	s7 =	ssub.s32 s8, s19;
	s8 =	sadd.s32 $0x138, s23  }
0xc: {  	s5 =	sadd.s32 s5, s25;
	s6 =	sshrl.u32 s6, $0x3;
	s14 =	sadd.s32 $0x1600, s3  }
0xd: {  	s28 =	sshll.u32 s8, $0x7;
	s30 =	sshll.u32 s8, $0x4;
	s7 =	smax.u32 s7, $0x1  }
0xe: {  	s8 =	sadd.s32 $0x138000, s2;
	s11 =	sadd.s32 $0x4E300, s5;
	[dreg:$0xc] =	wrdreg s7  }
0xf: {  	s18 =	sadd.s32 $0x4E340, s5;
	s10 =	sadd.s32 s1, s6;
	[dreg:$0xb] =	wrdreg s14  }
0x10: {  	s19 =	sadd.s32 $0x4E2C0, s5;
	s21 =	sadd.s32 $0x9C40, s10;
	[dreg:$0x5] =	wrdreg s10  }
0x11: {  	s5 =	sadd.s32 $0x4E380, s5;
	s22 =	sadd.s32 $0x9C48, s10;
	[dreg:$0x6] =	wrdreg s21  }
0x12: {  	s3 =	simm.s32 $0x2880;
	s9 =	sadd.s32 $0x9C50, s10;
	[dreg:$0x7] =	wrdreg s22  }
0x13: {  	s15 =	sshrl.u32 s11, $0x3;
	s10 =	sadd.s32 $0xA120, s10;
	[dreg:$0x8] =	wrdreg s9  }
0x14: {  	s11 =	sshrl.u32 s19, $0x3;
	s7 =	sadd.s32 s15, s1;
	[dreg:$0x9] =	wrdreg s10  }
0x15: {  	s6 =	sshrl.u32 s20, $0x2;
	s20 =	sadd.s32 s11, s1;
	[dreg:$0x10] =	wrdreg s7  }
0x16: {  	s5 =	sshrl.u32 s5, $0x3;
	s13 =	sadd.s32 s6, s2;
	[dreg:$0x12] =	wrdreg s20  }
0x17: {  	s15 =	simm.s32 $0x8980;
	s31 =	sadd.s32 $0x2000, s13;
	[dreg:$0xa] =	wrdreg s13  }
0x18: {  	s6 =	simm.s32 $0x8;
	s16 =	sadd.s32 $0x4000, s13;
	[dreg:$0xd] =	wrdreg s31  }
0x19: {  	s11 =	simm.s32 $0x4;
	s17 =	sadd.s32 $0x6000, s13;
	[dreg:$0xe] =	wrdreg s16  }
0x1a: {  	s9 =	sshrl.u32 s24, $0x2;
	s21 =	sadd.s32 $0x8000, s13;
	[dreg:$0xf] =	wrdreg s17  }
0x1b: {  	s7 =	sshrl.u32 s18, $0x3;
	s22 =	sadd.s32 s29, s14;
	[dreg:$0x14] =	wrdreg s21  }
0x1c: {  	s24 =	sadd.s32 s30, s14;
	s29 =	sadd.s32 $0xE000, s13;
	[dreg:$0x15] =	wrdreg s22  }
0x1d: {  	s30 =	sadd.s32 $0x10000, s13;
	s14 =	simm.s32 $0xA980;
	[dreg:$0x17] =	wrdreg s24  }
0x1e: {  	s20 =	simm.s32 $0x2900;
	s10 =	simm.s32 $0x0;
	[dreg:$0x1c] =	wrdreg s29  }
0x1f: {  	s26 =	sadd.s32 s9, s2;
	s7 =	sadd.s32 s7, s1;
	[dreg:$0x1d] =	wrdreg s30  }
0x20: {  	s9 =	sadd.s32 s28, s2;
	s1 =	sadd.s32 s5, s1;
	[dreg:$0x11] =	wrdreg s7  }
0x21: {  	s28 =	sadd.s32 $0xC000, s13;
	s31 =	sadd.s32 $0x12000, s13;
	[dreg:$0x13] =	wrdreg s1  }
0x22: {  	s16 =	simm.s32 $0x10;
	s17 =	simm.s32 $0xAA00;
	[dreg:$0x1b] =	wrdreg s28  }
0x23: {  	s21 =	simm.s32 $0x5;
	s23 =	sshrl.u32 s26, $0x3;
	[dreg:$0x1e] =	wrdreg s31  }
0x24: {  	s22 =	simm.s32 $0x1;
	s25 =	sshrl.u32 s9, $0x3;
	[dreg:$0x16] =	wrdreg s23  }
0x25: {  	s24 =	simm.s32 $0x7;
	s1 =	sshrl.u32 @!p0 s8, $0x3;
	[dreg:$0x18] =	wrdreg s25  }
0x26: {  	s26 =	sadd.s32 $0xA000, s13;
	s8 =	simm.s32 $0x40;
	[dreg:$0x19] =	wrdreg s1  }
0x27: {  	s9 =	simm.s32 $0x2980;
	[dreg:$0x1a] =	wrdreg s26;
	s1 =	simm.s32 $0x2780  }
0x28: {  	v0 =	vimm.f32 $0.0e+00;
	s23 =	simm.s32 $0x9;
	s25 =	simm.s32 $0x3;
	s26 =	simm.s32 $0xB  }
.LBB2_1:
0x29: {  	s5 =	rddreg [dreg:$0x5]  }
0x2a: {  	[tilespmem:s4], [sflag:$0xD] =	stream.linear.gather [hbm4b:s5+s4], $0x2710, $0x38;
	[tilespmem:$0x1F200] =	vst v63  }
0x2b: {  	s7 =	rddreg [dreg:$0x6]  }
0x2c: {  	[tilespmem:s1], [sflag:$0x1] =	stream.linear.gather [hbm4b:s7+s4], $0x40, $0x38;
	[tilespmem:$0x1F200] =	vst v63  }
0x2d: {  	s13 =	rddreg [dreg:$0x7];
	s7 =	simm.s32 $0x2800  }
0x2e: {  	[tilespmem:s7], [sflag:$0x2] =	stream.linear.gather [hbm4b:s13+s4], $0x40, $0x38;
	[tilespmem:$0x1F200] =	vst v63  }
0x2f: {  	s18 =	rddreg [dreg:$0x8]  }
0x30: {  	[tilespmem:s3], [sflag:$0x3] =	stream.linear.gather [hbm4b:s18+s4], $0x40, $0x38;
	[tilespmem:$0x1F200] =	vst v63  }
0x31: {  	s19 =	rddreg [dreg:$0x9];
	s28 =	simm.s32 $0xD  }
0x32: {  	[tilespmem:s14], [sflag:$0xE] =	stream.linear.gather [hbm4b:s19+s4], $0x10, $0x38;
	[tilespmem:$0x1F200] =	vst v63  }
0x33: {  	_ =	swait.ge [sflag:s28], $0x2710  }
0x34: {  	[sflag:s28] =	ssyncset.done $0x0  }
0x35: {  	[sflag:s28] =	ssyncadd.s32 $0xFFFFD8F0  }
0x36: {  	[tilespmem:s9], [sflag:$0x5] =	stream.indirect.gather [hbm4b:s0+s8], $0x80, s4, s8, $0xb8;
	[tilespmem:$0x1F200] =	vst v63  }
0x37: {  	s29 =	simm.s32 $0x4980  }
0x38: {  	[tilespmem:s29], [sflag:$0x6] =	stream.indirect.gather [hbm4b:s0+s8], $0x80, s8, s8, $0xb8;
	[tilespmem:$0x1F200] =	vst v63  }
0x39: {  	s30 =	simm.s32 $0x80  }
0x3a: {  	[tilespmem:s12], [sflag:$0x7] =	stream.indirect.gather [hbm4b:s0+s8], $0x80, s30, s8, $0xb8;
	[tilespmem:$0x1F200] =	vst v63  }
0x3b: {  	s31 =	simm.s32 $0x2700;
	s5 =	simm.s32 $0x0;
	s7 =	simm.s32 $0x200  }
0x3c: {  	[tilespmem:s17], [sflag:$0xF] =	stream.indirect.gather [hbm4b:s0+s16], $0x80, s31, s16, $0xb8;
	[tilespmem:$0x1F200] =	vst v63  }
.LBB2_2:
0x3d: {  	p1 =	seq.s32 s7, $0x7E00;
	[tilespmem:s5+$0x89F0] =	vst v0  }
0x3e: {  	[tilespmem:s5+$0x8980] =	vst v0  }
0x3f: {  	[tilespmem:s5+$0x8990] =	vst v0  }
.Ltmp0:
0x40: {  	[tilespmem:s5+$0x89A0] =	vst v0;
	(pc) =	sbr.rel @!p1 .LBB2_2-.Ltmp0, $4  }
0x41: {  	[tilespmem:s5+$0x89B0] =	vst v0  }
0x42: {  	[tilespmem:s5+$0x89C0] =	vst v0  }
0x43: {  	[tilespmem:s5+$0x89D0] =	vst v0  }
0x44: {  	[tilespmem:s5+$0x89E0] =	vst v0;
	s5 =	sshra.s32 s7, $0x2;
	s7 =	sadd.s32 $0x200, s7  }
0x45: {  	[tilespmem:s5+$0x89F0] =	vst v0  }
0x46: {  	[tilespmem:s5+$0x8980] =	vst v0  }
0x47: {  	[tilespmem:s5+$0x8990] =	vst v0  }
0x48: {  	[tilespmem:s5+$0x89A0] =	vst v0  }
0x49: {  	[tilespmem:s5+$0x89B0] =	vst v0  }
0x4a: {  	[tilespmem:s5+$0x89C0] =	vst v0  }
0x4b: {  	[tilespmem:s5+$0x89D0] =	vst v0;
	[dreg:$0x1f] =	wrdreg s10  }
0x4c: {  	[tilespmem:s5+$0x89E0] =	vst v0;
	s30 =	rddreg [dreg:$0xa]  }
0x4d: {  	[spmem:s30] =	stream.linear.scatter [tilespmem:s15], [sflag:$0x10], $0x2000, $0x38;
	[tilespmem:$0x1F200] =	vst v63  }
0x4e: {  	_ =	swait.ge [sflag:s16], $0x2000  }
0x4f: {  	[sflag:s16] =	ssyncset.done $0x0  }
0x50: {  	s31 =	rddreg [dreg:$0xd];
	[sflag:s16] =	ssyncadd.s32 $0xFFFFE000  }
0x51: {  	[spmem:s31] =	stream.linear.scatter [tilespmem:s15], [sflag:$0x10], $0x2000, $0x38;
	[tilespmem:$0x1F200] =	vst v63  }
0x52: {  	_ =	swait.ge [sflag:s16], $0x2000  }
0x53: {  	[sflag:s16] =	ssyncset.done $0x0  }
0x54: {  	s7 =	rddreg [dreg:$0xe];
	[sflag:s16] =	ssyncadd.s32 $0xFFFFE000  }
0x55: {  	[spmem:s7] =	stream.linear.scatter [tilespmem:s15], [sflag:$0x10], $0x2000, $0x38;
	[tilespmem:$0x1F200] =	vst v63  }
0x56: {  	_ =	swait.ge [sflag:s16], $0x2000  }
0x57: {  	[sflag:s16] =	ssyncset.done $0x0  }
0x58: {  	s10 =	rddreg [dreg:$0xf];
	[sflag:s16] =	ssyncadd.s32 $0xFFFFE000  }
0x59: {  	[spmem:s10] =	stream.linear.scatter [tilespmem:s15], [sflag:$0x10], $0x2000, $0x38;
	[tilespmem:$0x1F200] =	vst v63  }
0x5a: {  	_ =	swait.ge [sflag:s16], $0x2000  }
0x5b: {  	[sflag:s16] =	ssyncset.done $0x0  }
0x5c: {  	s13 =	rddreg [dreg:$0x14];
	[sflag:s16] =	ssyncadd.s32 $0xFFFFE000  }
0x5d: {  	[spmem:s13] =	stream.linear.scatter [tilespmem:s15], [sflag:$0x10], $0x2000, $0x38;
	[tilespmem:$0x1F200] =	vst v63  }
0x5e: {  	_ =	swait.ge [sflag:s16], $0x2000  }
0x5f: {  	[sflag:s16] =	ssyncset.done $0x0  }
0x60: {  	s14 =	rddreg [dreg:$0x1a];
	[sflag:s16] =	ssyncadd.s32 $0xFFFFE000  }
0x61: {  	[spmem:s14] =	stream.linear.scatter [tilespmem:s15], [sflag:$0x10], $0x2000, $0x38;
	[tilespmem:$0x1F200] =	vst v63  }
0x62: {  	_ =	swait.ge [sflag:s16], $0x2000  }
0x63: {  	[sflag:s16] =	ssyncset.done $0x0  }
0x64: {  	s17 =	rddreg [dreg:$0x1b];
	[sflag:s16] =	ssyncadd.s32 $0xFFFFE000  }
0x65: {  	[spmem:s17] =	stream.linear.scatter [tilespmem:s15], [sflag:$0x10], $0x2000, $0x38;
	[tilespmem:$0x1F200] =	vst v63  }
0x66: {  	_ =	swait.ge [sflag:s16], $0x2000  }
0x67: {  	[sflag:s16] =	ssyncset.done $0x0  }
0x68: {  	s18 =	rddreg [dreg:$0x1c];
	[sflag:s16] =	ssyncadd.s32 $0xFFFFE000  }
0x69: {  	[spmem:s18] =	stream.linear.scatter [tilespmem:s15], [sflag:$0x10], $0x2000, $0x38;
	[tilespmem:$0x1F200] =	vst v63  }
0x6a: {  	_ =	swait.ge [sflag:s16], $0x2000  }
0x6b: {  	[sflag:s16] =	ssyncset.done $0x0  }
0x6c: {  	s19 =	rddreg [dreg:$0x1d];
	[sflag:s16] =	ssyncadd.s32 $0xFFFFE000  }
0x6d: {  	[spmem:s19] =	stream.linear.scatter [tilespmem:s15], [sflag:$0x10], $0x2000, $0x38;
	[tilespmem:$0x1F200] =	vst v63  }
0x6e: {  	_ =	swait.ge [sflag:s16], $0x2000  }
0x6f: {  	[sflag:s16] =	ssyncset.done $0x0  }
0x70: {  	s30 =	rddreg [dreg:$0x1e];
	[sflag:s16] =	ssyncadd.s32 $0xFFFFE000  }
0x71: {  	[spmem:s30] =	stream.linear.scatter [tilespmem:s15], [sflag:$0x10], $0x2000, $0x38;
	[tilespmem:$0x1F200] =	vst v63  }
0x72: {  	_ =	swait.ge [sflag:s16], $0x2000  }
0x73: {  	[sflag:s16] =	ssyncset.done $0x0  }
0x74: {  	p1 =	por $0x1, $0x1;
	[sflag:s16] =	ssyncadd.s32 $0xFFFFE000  }
0x75: {  	s5 =	simm.s32 @!p1 $0xC;
	[bflag:$0x0] =	sbarrier.arrive $0xFFFF  }
0x76: {  	_ =	swait.ge @!p1 [sflag:s5], $0x2000  }
0x77: {  	[sflag:s5] =	ssyncset.done @!p1 $0x0  }
0x78: {  	s31 =	simm.s32 $0xC0;
	[sflag:s5] =	ssyncadd.s32 @!p1 $0xFFFFE000  }
0x79: {  	[tilespmem:s15], [sflag:$0x8] =	stream.indirect.gather [hbm4b:s0+s8], $0x80, s31, s8, $0xb8;
	[tilespmem:$0x1F200] =	vst v63  }
0x7a: {  	s17 =	rddreg [dreg:$0x12]  }
0x7b: {  	[tilespmem:s20], [sflag:$0x4] =	stream.linear.gather [hbm4b:s17+s4], $0x40, $0x38;
	[tilespmem:$0x1F200] =	vst v63  }
0x7c: {  	_ =	swait.ge [sflag:s21], $0x2000  }
0x7d: {  	[sflag:s21] =	ssyncset.done $0x0  }
0x7e: {  	[sflag:s21] =	ssyncadd.s32 $0xFFFFE000  }
0x7f: {  	_ =	swait.ge [sflag:s22], $0x40  }
0x80: {  	[sflag:s22] =	ssyncset.done $0x0  }
0x81: {  	[sflag:s22] =	ssyncadd.s32 $0xFFFFFFC0  }
0x82: {  	[spmem:s2] =	stream.indirect.scatter.add.f32 [tilespmem:s9], [sflag:$0x9], $0x80, s1, s8, $0xb8;
	[tilespmem:$0x1F200] =	vst v63  }
0x83: {  	_ =	swait.ge [sflag:s23], $0x2000  }
0x84: {  	p1 =	por $0x0, $0x0;
	[sflag:s23] =	ssyncset.done $0x0  }
0x85: {  	s5 =	simm.s32 @p1 $0x6;
	[sflag:s23] =	ssyncadd.s32 $0xFFFFE000  }
0x86: {  	_ =	swait.ge @p1 [sflag:s5], $0x2000  }
0x87: {  	[sflag:s5] =	ssyncset.done @p1 $0x0  }
0x88: {  	[sflag:s5] =	ssyncadd.s32 @p1 $0xFFFFE000;
	s5 =	simm.s32 @p1 $0x2  }
0x89: {  	_ =	swait.ge @p1 [sflag:s5], $0x40  }
0x8a: {  	s7 =	simm.s32 @p1 $0x4980;
	s10 =	simm.s32 @p1 $0xA;
	[sflag:s5] =	ssyncset.done @p1 $0x0  }
0x8b: {  	s14 =	simm.s32 @p1 $0x2800;
	[sflag:s5] =	ssyncadd.s32 @p1 $0xFFFFFFC0;
	s5 =	simm.s32 @p1 $0x40  }
0x8c: {  	[spmem:s2] =	stream.indirect.scatter.add.f32 @p1 [tilespmem:s7], [sflag:$0xA], $0x80, s14, s5, $0xb8;
	[tilespmem:$0x1F200] =	vst v63  }
0x8d: {  	_ =	swait.ge @p1 [sflag:s10], $0x2000  }
0x8e: {  	s5 =	simm.s32 @!p1 $0x100;
	s7 =	simm.s32 @!p1 $0x40;
	[sflag:s10] =	ssyncset.done @p1 $0x0  }
0x8f: {  	s14 =	simm.s32 @!p1 $0x6;
	[sflag:s10] =	ssyncadd.s32 @p1 $0xFFFFE000;
	s10 =	simm.s32 @!p1 $0x2980  }
0x90: {  	[tilespmem:s10], [sflag:$0x5] =	stream.indirect.gather @!p1 [hbm4b:s0+s7], $0x80, s5, s7, $0xb8;
	[tilespmem:$0x1F200] =	vst v63  }
0x91: {  	s13 =	rddreg [dreg:$0x10];
	s5 =	simm.s32 @!p1 $0x0;
	s10 =	simm.s32 @!p1 $0x2780  }
0x92: {  	[tilespmem:s10], [sflag:$0x1] =	stream.linear.gather @!p1 [hbm4b:s13+s5], $0x40, $0x38;
	[tilespmem:$0x1F200] =	vst v63  }
0x93: {  	_ =	swait.ge @!p1 [sflag:s14], $0x2000  }
0x94: {  	[sflag:s14] =	ssyncset.done @!p1 $0x0  }
0x95: {  	s10 =	simm.s32 @!p1 $0x2;
	[sflag:s14] =	ssyncadd.s32 @!p1 $0xFFFFE000  }
0x96: {  	_ =	swait.ge @!p1 [sflag:s10], $0x40  }
0x97: {  	s28 =	simm.s32 @!p1 $0x4980;
	[sflag:s10] =	ssyncset.done @!p1 $0x0  }
0x98: {  	s14 =	simm.s32 @!p1 $0xA;
	[sflag:s10] =	ssyncadd.s32 @!p1 $0xFFFFFFC0;
	s10 =	simm.s32 @!p1 $0x2800  }
0x99: {  	[spmem:s2] =	stream.indirect.scatter.add.f32 @!p1 [tilespmem:s28], [sflag:$0xA], $0x80, s10, s7, $0xb8;
	[tilespmem:$0x1F200] =	vst v63  }
0x9a: {  	_ =	swait.ge @!p1 [sflag:s14], $0x2000  }
0x9b: {  	[sflag:s14] =	ssyncset.done @!p1 $0x0  }
0x9c: {  	s29 =	simm.s32 @!p1 $0x140;
	[sflag:s14] =	ssyncadd.s32 @!p1 $0xFFFFE000  }
0x9d: {  	[tilespmem:s28], [sflag:$0x6] =	stream.indirect.gather @!p1 [hbm4b:s0+s7], $0x80, s29, s7, $0xb8;
	[tilespmem:$0x1F200] =	vst v63  }
0x9e: {  	s16 =	rddreg [dreg:$0x11]  }
0x9f: {  	[tilespmem:s10], [sflag:$0x2] =	stream.linear.gather @!p1 [hbm4b:s16+s5], $0x40, $0x38;
	[tilespmem:$0x1F200] =	vst v63  }
0xa0: {  	_ =	swait.ge [sflag:s24], $0x2000  }
0xa1: {  	[sflag:s24] =	ssyncset.done $0x0  }
0xa2: {  	[sflag:s24] =	ssyncadd.s32 $0xFFFFE000  }
0xa3: {  	_ =	swait.ge [sflag:s25], $0x40  }
0xa4: {  	[sflag:s25] =	ssyncset.done $0x0  }
0xa5: {  	[sflag:s25] =	ssyncadd.s32 $0xFFFFFFC0  }
0xa6: {  	[spmem:s2] =	stream.indirect.scatter.add.f32 [tilespmem:s12], [sflag:$0xB], $0x80, s3, s8, $0xb8;
	[tilespmem:$0x1F200] =	vst v63  }
0xa7: {  	_ =	swait.ge [sflag:s26], $0x2000  }
0xa8: {  	[sflag:s26] =	ssyncset.done $0x0  }
0xa9: {  	s14 =	simm.s32 @!p1 $0x6980;
	s10 =	simm.s32 @!p1 $0x180;
	[sflag:s26] =	ssyncadd.s32 $0xFFFFE000  }
0xaa: {  	[tilespmem:s14], [sflag:$0x7] =	stream.indirect.gather @!p1 [hbm4b:s0+s7], $0x80, s10, s7, $0xb8;
	[tilespmem:$0x1F200] =	vst v63  }
0xab: {  	s7 =	simm.s32 @!p1 $0x2880;
	s10 =	rddreg [dreg:$0x13]  }
0xac: {  	[tilespmem:s7], [sflag:$0x3] =	stream.linear.gather @!p1 [hbm4b:s10+s5], $0x40, $0x38;
	[tilespmem:$0x1F200] =	vst v63  }
0xad: {  	_ =	swait.ge [sflag:s6], $0x2000  }
0xae: {  	p2 =	por $0x0, $0x0;
	[sflag:s6] =	ssyncset.done $0x0  }
0xaf: {  	s29 =	simm.s32 $0x800;
	s28 =	sadd.s32 $0x20, s17;
	[sflag:s6] =	ssyncadd.s32 $0xFFFFE000  }
0xb0: {  	s14 =	sadd.s32 $0x20, s10;
	s7 =	simm.s32 $0x400;
	_ =	swait.ge [sflag:s11], $0x40  }
0xb1: {  	s5 =	sadd.s32 $0x20, s16;
	s10 =	sadd.s32 $0x20, s13;
	[sflag:s11] =	ssyncset.done $0x0  }
.LBB2_4:
0xb2: {  	s30 =	simm.s32 @!p2 $0xC  }
0xb3: {  	[sflag:s11] =	ssyncadd.s32 $0xFFFFFFC0;
	s16 =	smov.u32 s29;
	s29 =	sadd.s32 $0x400, s29  }
0xb4: {  	[spmem:s2] =	stream.indirect.scatter.add.f32 [tilespmem:s15], [sflag:$0xC], $0x80, s20, s8, $0xb8;
	[tilespmem:$0x1F200] =	vst v63  }
0xb5: {  	p1 =	sne.s32 s29, $0x9C00;
	_ =	swait.ge @!p2 [sflag:s30], $0x2000  }
0xb6: {  	s17 =	sshra.s32 s7, $0x2;
	[sflag:s30] =	ssyncset.done @!p2 $0x0  }
0xb7: {  	s17 =	sadd.s32 $0xC0, s17;
	[sflag:s30] =	ssyncadd.s32 @!p2 $0xFFFFE000  }
0xb8: {  	[tilespmem:s15], [sflag:$0x8] =	stream.indirect.gather [hbm4b:s0+s8], $0x80, s17, s8, $0xb8;
	[tilespmem:$0x1F200] =	vst v63  }
0xb9: {  	_ = 	snop  }
0xba: {  	[tilespmem:s20], [sflag:$0x4] =	stream.linear.gather [hbm4b:s28+s4], $0x40, $0x38;
	[tilespmem:$0x1F200] =	vst v63  }
0xbb: {  	_ =	swait.ge [sflag:s21], $0x2000  }
0xbc: {  	[sflag:s21] =	ssyncset.done $0x0  }
0xbd: {  	[sflag:s21] =	ssyncadd.s32 $0xFFFFE000  }
0xbe: {  	_ =	swait.ge [sflag:s22], $0x40  }
0xbf: {  	[sflag:s22] =	ssyncset.done $0x0  }
0xc0: {  	[sflag:s22] =	ssyncadd.s32 $0xFFFFFFC0  }
0xc1: {  	[spmem:s2] =	stream.indirect.scatter.add.f32 [tilespmem:s9], [sflag:$0x9], $0x80, s1, s8, $0xb8;
	[tilespmem:$0x1F200] =	vst v63  }
0xc2: {  	_ =	swait.ge [sflag:s23], $0x2000  }
0xc3: {  	p2 =	seq.s32 s7, $0x9800;
	[sflag:s23] =	ssyncset.done $0x0  }
0xc4: {  	s17 =	simm.s32 @p2 $0x6;
	s7 =	sshra.s32 @!p2 s7, $0x2;
	[sflag:s23] =	ssyncadd.s32 $0xFFFFE000  }
0xc5: {  	s18 =	sadd.s32 @!p2 $0x100, s7;
	s19 =	sadd.s32 @!p2 $0x140, s7;
	_ =	swait.ge @p2 [sflag:s17], $0x2000  }
0xc6: {  	s30 =	sadd.s32 @!p2 $0x180, s7;
	s7 =	smov.u32 s16;
	[sflag:s17] =	ssyncset.done @p2 $0x0  }
0xc7: {  	s16 =	simm.s32 @p2 $0x2;
	[sflag:s17] =	ssyncadd.s32 @p2 $0xFFFFE000  }
0xc8: {  	_ =	swait.ge @p2 [sflag:s16], $0x40  }
0xc9: {  	s31 =	simm.s32 @p2 $0xA;
	s17 =	simm.s32 @p2 $0x4980;
	[sflag:s16] =	ssyncset.done @p2 $0x0  }
0xca: {  	s13 =	simm.s32 @p2 $0x2800;
	[sflag:s16] =	ssyncadd.s32 @p2 $0xFFFFFFC0;
	s16 =	simm.s32 @p2 $0x40  }
0xcb: {  	[spmem:s2] =	stream.indirect.scatter.add.f32 @p2 [tilespmem:s17], [sflag:$0xA], $0x80, s13, s16, $0xb8;
	[tilespmem:$0x1F200] =	vst v63  }
0xcc: {  	_ =	swait.ge @p2 [sflag:s31], $0x2000  }
0xcd: {  	[sflag:s31] =	ssyncset.done @p2 $0x0  }
0xce: {  	s13 =	simm.s32 @!p2 $0x40;
	s16 =	simm.s32 @!p2 $0x2980;
	[sflag:s31] =	ssyncadd.s32 @p2 $0xFFFFE000  }
0xcf: {  	[tilespmem:s16], [sflag:$0x5] =	stream.indirect.gather @!p2 [hbm4b:s0+s13], $0x80, s18, s13, $0xb8;
	[tilespmem:$0x1F200] =	vst v63  }
0xd0: {  	s17 =	simm.s32 @!p2 $0x2780;
	s16 =	simm.s32 @!p2 $0x0;
	s18 =	simm.s32 @!p2 $0x6  }
0xd1: {  	[tilespmem:s17], [sflag:$0x1] =	stream.linear.gather @!p2 [hbm4b:s10+s16], $0x40, $0x38;
	[tilespmem:$0x1F200] =	vst v63  }
0xd2: {  	_ =	swait.ge @!p2 [sflag:s18], $0x2000  }
0xd3: {  	[sflag:s18] =	ssyncset.done @!p2 $0x0  }
0xd4: {  	s17 =	simm.s32 @!p2 $0x2;
	[sflag:s18] =	ssyncadd.s32 @!p2 $0xFFFFE000  }
0xd5: {  	_ =	swait.ge @!p2 [sflag:s17], $0x40  }
0xd6: {  	s18 =	simm.s32 @!p2 $0xA;
	[sflag:s17] =	ssyncset.done @!p2 $0x0  }
0xd7: {  	s31 =	simm.s32 @!p2 $0x4980;
	[sflag:s17] =	ssyncadd.s32 @!p2 $0xFFFFFFC0;
	s17 =	simm.s32 @!p2 $0x2800  }
0xd8: {  	[spmem:s2] =	stream.indirect.scatter.add.f32 @!p2 [tilespmem:s31], [sflag:$0xA], $0x80, s17, s13, $0xb8;
	[tilespmem:$0x1F200] =	vst v63  }
0xd9: {  	_ =	swait.ge @!p2 [sflag:s18], $0x2000  }
0xda: {  	[sflag:s18] =	ssyncset.done @!p2 $0x0  }
0xdb: {  	[sflag:s18] =	ssyncadd.s32 @!p2 $0xFFFFE000  }
0xdc: {  	[tilespmem:s31], [sflag:$0x6] =	stream.indirect.gather @!p2 [hbm4b:s0+s13], $0x80, s19, s13, $0xb8;
	[tilespmem:$0x1F200] =	vst v63  }
0xdd: {  	_ = 	snop  }
0xde: {  	[tilespmem:s17], [sflag:$0x2] =	stream.linear.gather @!p2 [hbm4b:s5+s16], $0x40, $0x38;
	[tilespmem:$0x1F200] =	vst v63  }
0xdf: {  	_ =	swait.ge [sflag:s24], $0x2000  }
0xe0: {  	[sflag:s24] =	ssyncset.done $0x0  }
0xe1: {  	[sflag:s24] =	ssyncadd.s32 $0xFFFFE000  }
0xe2: {  	_ =	swait.ge [sflag:s25], $0x40  }
0xe3: {  	[sflag:s25] =	ssyncset.done $0x0  }
0xe4: {  	[sflag:s25] =	ssyncadd.s32 $0xFFFFFFC0  }
0xe5: {  	[spmem:s2] =	stream.indirect.scatter.add.f32 [tilespmem:s12], [sflag:$0xB], $0x80, s3, s8, $0xb8;
	[tilespmem:$0x1F200] =	vst v63  }
0xe6: {  	_ =	swait.ge [sflag:s26], $0x2000  }
0xe7: {  	[sflag:s26] =	ssyncset.done $0x0  }
0xe8: {  	s17 =	simm.s32 @!p2 $0x6980;
	[sflag:s26] =	ssyncadd.s32 $0xFFFFE000  }
0xe9: {  	[tilespmem:s17], [sflag:$0x7] =	stream.indirect.gather @!p2 [hbm4b:s0+s13], $0x80, s30, s13, $0xb8;
	[tilespmem:$0x1F200] =	vst v63  }
0xea: {  	s13 =	simm.s32 @!p2 $0x2880  }
0xeb: {  	[tilespmem:s13], [sflag:$0x3] =	stream.linear.gather @!p2 [hbm4b:s14+s16], $0x40, $0x38;
	[tilespmem:$0x1F200] =	vst v63  }
.Ltmp1:
0xec: {  	_ =	swait.ge [sflag:s6], $0x2000;
	(pc) =	sbr.rel @p1 .LBB2_4-.Ltmp1, $4  }
0xed: {  	[sflag:s6] =	ssyncset.done $0x0  }
0xee: {  	s14 =	sadd.s32 $0x20, s14;
	[sflag:s6] =	ssyncadd.s32 $0xFFFFE000  }
0xef: {  	s28 =	sadd.s32 $0x20, s28;
	s5 =	sadd.s32 $0x20, s5;
	_ =	swait.ge [sflag:s11], $0x40  }
0xf0: {  	s10 =	sadd.s32 $0x20, s10;
	p2 =	seq.s32 s7, $0x0;
	[sflag:s11] =	ssyncset.done $0x0  }
0xf1: {  	s13 =	simm.s32 @!p2 $0xC;
	[sflag:s11] =	ssyncadd.s32 $0xFFFFFFC0  }
0xf2: {  	[spmem:s2] =	stream.indirect.scatter.add.f32 [tilespmem:s15], [sflag:$0xC], $0x80, s20, s8, $0xb8;
	[tilespmem:$0x1F200] =	vst v63  }
0xf3: {  	_ =	swait.ge @!p2 [sflag:s13], $0x2000  }
0xf4: {  	s16 =	sshra.s32 s7, $0x2;
	[sflag:s13] =	ssyncset.done @!p2 $0x0  }
0xf5: {  	s31 =	sadd.s32 $0xC0, s16;
	[sflag:s13] =	ssyncadd.s32 @!p2 $0xFFFFE000  }
0xf6: {  	[tilespmem:s15], [sflag:$0x8] =	stream.indirect.gather [hbm4b:s0+s8], $0x80, s31, s8, $0xb8;
	[tilespmem:$0x1F200] =	vst v63  }
0xf7: {  	_ = 	snop  }
0xf8: {  	[tilespmem:s20], [sflag:$0x4] =	stream.linear.gather [hbm4b:s28+s4], $0x40, $0x38;
	[tilespmem:$0x1F200] =	vst v63  }
0xf9: {  	_ =	swait.ge [sflag:s21], $0x2000  }
0xfa: {  	[sflag:s21] =	ssyncset.done $0x0  }
0xfb: {  	[sflag:s21] =	ssyncadd.s32 $0xFFFFE000  }
0xfc: {  	_ =	swait.ge [sflag:s22], $0x40  }
0xfd: {  	[sflag:s22] =	ssyncset.done $0x0  }
0xfe: {  	[sflag:s22] =	ssyncadd.s32 $0xFFFFFFC0  }
0xff: {  	[spmem:s2] =	stream.indirect.scatter.add.f32 [tilespmem:s9], [sflag:$0x9], $0x80, s1, s8, $0xb8;
	[tilespmem:$0x1F200] =	vst v63  }
0x100: {  	_ =	swait.ge [sflag:s23], $0x2000  }
0x101: {  	p1 =	seq.s32 s7, $0x9800;
	[sflag:s23] =	ssyncset.done $0x0  }
0x102: {  	s13 =	simm.s32 @p1 $0x6;
	[sflag:s23] =	ssyncadd.s32 $0xFFFFE000  }
0x103: {  	_ =	swait.ge @p1 [sflag:s13], $0x2000  }
0x104: {  	[sflag:s13] =	ssyncset.done @p1 $0x0  }
0x105: {  	[sflag:s13] =	ssyncadd.s32 @p1 $0xFFFFE000;
	s13 =	simm.s32 @p1 $0x2  }
0x106: {  	_ =	swait.ge @p1 [sflag:s13], $0x40  }
0x107: {  	s16 =	simm.s32 @p1 $0x4980;
	s17 =	simm.s32 @p1 $0xA;
	[sflag:s13] =	ssyncset.done @p1 $0x0  }
0x108: {  	s18 =	simm.s32 @p1 $0x2800;
	[sflag:s13] =	ssyncadd.s32 @p1 $0xFFFFFFC0;
	s13 =	simm.s32 @p1 $0x40  }
0x109: {  	[spmem:s2] =	stream.indirect.scatter.add.f32 @p1 [tilespmem:s16], [sflag:$0xA], $0x80, s18, s13, $0xb8;
	[tilespmem:$0x1F200] =	vst v63  }
0x10a: {  	s7 =	sshra.s32 @!p1 s7, $0x2;
	_ =	swait.ge @p1 [sflag:s17], $0x2000  }
0x10b: {  	s13 =	sadd.s32 @!p1 $0x100, s7;
	[sflag:s17] =	ssyncset.done @p1 $0x0  }
0x10c: {  	s16 =	simm.s32 @!p1 $0x40;
	[sflag:s17] =	ssyncadd.s32 @p1 $0xFFFFE000;
	s17 =	simm.s32 @!p1 $0x2980  }
0x10d: {  	[tilespmem:s17], [sflag:$0x5] =	stream.indirect.gather @!p1 [hbm4b:s0+s16], $0x80, s13, s16, $0xb8;
	[tilespmem:$0x1F200] =	vst v63  }
0x10e: {  	s18 =	simm.s32 @!p1 $0x6;
	s13 =	simm.s32 @!p1 $0x0;
	s17 =	simm.s32 @!p1 $0x2780  }
0x10f: {  	[tilespmem:s17], [sflag:$0x1] =	stream.linear.gather @!p1 [hbm4b:s10+s13], $0x40, $0x38;
	[tilespmem:$0x1F200] =	vst v63  }
0x110: {  	_ =	swait.ge @!p1 [sflag:s18], $0x2000  }
0x111: {  	[sflag:s18] =	ssyncset.done @!p1 $0x0  }
0x112: {  	s10 =	simm.s32 @!p1 $0x2;
	[sflag:s18] =	ssyncadd.s32 @!p1 $0xFFFFE000  }
0x113: {  	_ =	swait.ge @!p1 [sflag:s10], $0x40  }
0x114: {  	s17 =	simm.s32 @!p1 $0xA;
	[sflag:s10] =	ssyncset.done @!p1 $0x0  }
0x115: {  	s18 =	simm.s32 @!p1 $0x4980;
	[sflag:s10] =	ssyncadd.s32 @!p1 $0xFFFFFFC0;
	s10 =	simm.s32 @!p1 $0x2800  }
0x116: {  	[spmem:s2] =	stream.indirect.scatter.add.f32 @!p1 [tilespmem:s18], [sflag:$0xA], $0x80, s10, s16, $0xb8;
	[tilespmem:$0x1F200] =	vst v63  }
0x117: {  	_ =	swait.ge @!p1 [sflag:s17], $0x2000  }
0x118: {  	[sflag:s17] =	ssyncset.done @!p1 $0x0  }
0x119: {  	[sflag:s17] =	ssyncadd.s32 @!p1 $0xFFFFE000;
	s17 =	sadd.s32 @!p1 $0x140, s7  }
0x11a: {  	[tilespmem:s18], [sflag:$0x6] =	stream.indirect.gather @!p1 [hbm4b:s0+s16], $0x80, s17, s16, $0xb8;
	[tilespmem:$0x1F200] =	vst v63  }
0x11b: {  	_ = 	snop  }
0x11c: {  	[tilespmem:s10], [sflag:$0x2] =	stream.linear.gather @!p1 [hbm4b:s5+s13], $0x40, $0x38;
	[tilespmem:$0x1F200] =	vst v63  }
0x11d: {  	_ =	swait.ge [sflag:s24], $0x2000  }
0x11e: {  	[sflag:s24] =	ssyncset.done $0x0  }
0x11f: {  	[sflag:s24] =	ssyncadd.s32 $0xFFFFE000  }
0x120: {  	_ =	swait.ge [sflag:s25], $0x40  }
0x121: {  	[sflag:s25] =	ssyncset.done $0x0  }
0x122: {  	[sflag:s25] =	ssyncadd.s32 $0xFFFFFFC0  }
0x123: {  	[spmem:s2] =	stream.indirect.scatter.add.f32 [tilespmem:s12], [sflag:$0xB], $0x80, s3, s8, $0xb8;
	[tilespmem:$0x1F200] =	vst v63  }
0x124: {  	_ =	swait.ge [sflag:s26], $0x2000  }
0x125: {  	[sflag:s26] =	ssyncset.done $0x0  }
0x126: {  	s5 =	sadd.s32 @!p1 $0x180, s7;
	s7 =	simm.s32 @!p1 $0x6980;
	[sflag:s26] =	ssyncadd.s32 $0xFFFFE000  }
0x127: {  	[tilespmem:s7], [sflag:$0x7] =	stream.indirect.gather @!p1 [hbm4b:s0+s16], $0x80, s5, s16, $0xb8;
	[tilespmem:$0x1F200] =	vst v63  }
0x128: {  	s5 =	simm.s32 @!p1 $0x2880  }
0x129: {  	[tilespmem:s5], [sflag:$0x3] =	stream.linear.gather @!p1 [hbm4b:s14+s13], $0x40, $0x38;
	[tilespmem:$0x1F200] =	vst v63  }
0x12a: {  	_ =	swait.ge [sflag:s6], $0x2000  }
0x12b: {  	[sflag:s6] =	ssyncset.done $0x0  }
0x12c: {  	[sflag:s6] =	ssyncadd.s32 $0xFFFFE000  }
0x12d: {  	_ =	swait.ge [sflag:s11], $0x40  }
0x12e: {  	[sflag:s11] =	ssyncset.done $0x0  }
0x12f: {  	s14 =	simm.s32 $0xC;
	[sflag:s11] =	ssyncadd.s32 $0xFFFFFFC0  }
0x130: {  	[spmem:s2] =	stream.indirect.scatter.add.f32 [tilespmem:s15], [sflag:$0xC], $0x80, s20, s8, $0xb8;
	[tilespmem:$0x1F200] =	vst v63  }
0x131: {  	_ =	swait.ge [sflag:s14], $0x2000  }
0x132: {  	[sflag:s14] =	ssyncset.done $0x0  }
0x133: {  	s16 =	simm.s32 $0xF;
	[sflag:s14] =	ssyncadd.s32 $0xFFFFE000  }
0x134: {  	_ =	swait.ge [sflag:s16], $0x800  }
0x135: {  	[sflag:s16] =	ssyncset.done $0x0  }
0x136: {  	s17 =	simm.s32 $0xE;
	[sflag:s16] =	ssyncadd.s32 $0xFFFFF800  }
0x137: {  	_ =	swait.ge [sflag:s17], $0x10  }
0x138: {  	s14 =	simm.s32 $0xA980;
	[sflag:s17] =	ssyncset.done $0x0  }
0x139: {  	s16 =	simm.s32 $0x10;
	[sflag:s17] =	ssyncadd.s32 $0xFFFFFFF0;
	s17 =	simm.s32 $0xAA00  }
0x13a: {  	[spmem:s2] =	stream.indirect.scatter.add.f32 [tilespmem:s17], [sflag:$0x10], $0x80, s14, s16, $0xb8;
	[tilespmem:$0x1F200] =	vst v63  }
0x13b: {  	_ =	swait.ge [sflag:s16], $0x800  }
0x13c: {  	[sflag:s16] =	ssyncset.done $0x0  }
0x13d: {  	[sflag:s16] =	ssyncadd.s32 $0xFFFFF800  }
0x13e: {  	s18 =	stileid.u32;
	[bflag:$0x0] =	sbarrier.arrive $0xFFFF  }
0x13f: {  	s5 =	sshll.u32 s18, $0x6;
	s28 =	rddreg [dreg:$0x15]  }
0x140: {  	s19 =	sor.u32 $0x1C05, s5;
	s29 =	rddreg [dreg:$0x16]  }
0x141: {  	[hbm:s28], [sflag:s19] =	dma.local [spmem:s29], $0x1380  }
0x142: {  	s7 =	rddreg [dreg:$0x17]  }
0x143: {  	s5 =	sor.u32 $0x1C06, s5;
	s10 =	rddreg [dreg:$0x18]  }
0x144: {  	[hbm:s7], [sflag:s5] =	dma.local [spmem:s10], $0x1380  }
0x145: {  	s5 =	simm.s32 @p0 $0x5  }
0x146: {  	_ =	swait.ge @p0 [sflag:s5], $0x1380  }
0x147: {  	[sflag:s5] =	ssyncset.done @p0 $0x0  }
0x148: {  	[sflag:s5] =	ssyncadd.s32 @p0 $0xFFFFEC80;
	s5 =	simm.s32 @p0 $0x6  }
0x149: {  	_ =	swait.ge @p0 [sflag:s5], $0x1380  }
0x14a: {  	[sflag:s5] =	ssyncset.done @p0 $0x0  }
0x14b: {  	[sflag:s5] =	ssyncadd.s32 @p0 $0xFFFFEC80;
	s5 =	rddreg [dreg:$0xb]  }
0x14c: {  	s7 =	simm.s32 @!p0 $0x1C07;
	s10 =	rddreg [dreg:$0x19];
	s5 =	sadd.s32 @!p0 $0x27000, s5  }
0x14d: {  	[hbm:s5], [sflag:s7] =	dma.local @!p0 [spmem:s10], $0x100  }
0x14e: {  	s5 =	simm.s32 @!p0 $0x5  }
0x14f: {  	_ =	swait.ge @!p0 [sflag:s5], $0x1380  }
0x150: {  	[sflag:s5] =	ssyncset.done @!p0 $0x0  }
0x151: {  	[sflag:s5] =	ssyncadd.s32 @!p0 $0xFFFFEC80;
	s5 =	simm.s32 @!p0 $0x6  }
0x152: {  	_ =	swait.ge @!p0 [sflag:s5], $0x1380  }
0x153: {  	[sflag:s5] =	ssyncset.done @!p0 $0x0  }
0x154: {  	[sflag:s5] =	ssyncadd.s32 @!p0 $0xFFFFEC80;
	s5 =	simm.s32 @!p0 $0x7  }
0x155: {  	_ =	swait.ge @!p0 [sflag:s5], $0x100  }
0x156: {  	s30 =	rddreg [dreg:$0x1f]  }
0x157: {  	s31 =	rddreg [dreg:$0xc];
	s10 =	sadd.s32 $0x1, s30  }
0x158: {  	p1 =	sne.s32 s10, s31  }
.Ltmp2:
0x159: {  	_ = 	snop;
	(pc) =	sbr.rel @p1 .LBB2_1-.Ltmp2, $3  }
0x15a: {  	_ =	sdelay $0x1  }
0x15b: {  	[sflag:s5] =	ssyncset.done @!p0 $0x0  }
0x15c: {  	[sflag:s5] =	ssyncadd.s32 @!p0 $0xFFFFFF00  }
0x15d: {  	_ =	sfence.sel $0x180000  }
0x15e: {  	[bflag:$0x0] =	sbarrier.arrive $0xFFFF  }
0x15f: {  	_ =	strace $0x90000047  }
0x160: {  	[bflag:$0x2] =	sbarrier.arrive $0xFFFF  }
0x161: {  	s0 =	rddreg [dreg:$0x4]  }
0x162: {  	s0 =	sadd.s32 @!p0 $0x100000, s0  }
0x163: {  	[sflag:s0] =	ssyncadd.tile.s32 @!p0 $0x1;
	_ =	shalt  }
.Lfunc_end2:
_tile_overlayer_lowered:
.L_overlay_start_2:
0x164: {  	(tag) =	ssettag $0x2  }
0x165: {  	s0 =	rddreg [dreg:$0x0];
	s2 =	stileid.u32  }
0x166: {  	s1 =	rddreg [dreg:$0x1];
	p0 =	sne.s32 s2, $0x0  }
0x167: {  	s3 =	rddreg [dreg:$0x2];
	[bflag:$0x3] =	sbarrier.arrive $0xFFFF;
	s2 =	simm.s32 @!p0 $0x1C10  }
0x168: {  	[timem:s3], [sflag:s2] =	dma.local @!p0 [hbm:s0], s1  }
0x169: {  	s0 =	simm.s32 @!p0 $0x10  }
0x16a: {  	_ =	swait.ge @!p0 [sflag:s0], s1  }
0x16b: {  	s1 =	ssub.s32 @!p0 $0x0, s1;
	[sflag:s0] =	ssyncset.done @!p0 $0x0  }
0x16c: {  	[sflag:s0] =	ssyncadd.s32 @!p0 s1  }
0x16d: {  	[bflag:$0x3] =	sbarrier.arrive $0xFFFF  }
0x16e: {  	_ =	shalt  }

</sc_bundles>
